<compile_context>
chip_gen: v7x
topology: tpu7x:2x2x1
jax: 0.10.2.dev20260603
libtpu: 0.0.44.dev20260713+nightly
codegen_flags: <defaults>
</compile_context>

<pallas_src>
import functools

import jax
import jax.numpy as jnp
from jax import lax
from jax.experimental import pallas as pl
from jax.experimental.pallas import tpu as pltpu
from jax.experimental.pallas import tpu_sc as plsc

B = 512
F = 128
NBITS = 16
ENC = F * NBITS
H = 4096
K = 32
C = 1000
THRESH = 8.0

NC = 2
NS = 16
NW = NC * NS
R = 8

_mesh = plsc.VectorSubcoreMesh(
    core_axis_name="c", subcore_axis_name="s", num_cores=NC, num_subcores=NS)


SBIT = 13


def _build_body(pidx_hbm, w_hbm, idx_v, wbuf, *, d, remap, hpw):
    wid = lax.axis_index("s") * NC + lax.axis_index("c")
    base = wid * hpw
    gbase = wid * (hpw // 8)
    ng = hpw // R
    zero16 = jnp.zeros((16,), jnp.float32)

    def zrow(rr, c):
        def zcol(i, c2):
            wbuf[rr, pl.ds(i * 16, 16)] = zero16
            return c2
        return lax.fori_loop(0, d // 16, zcol, c)
    lax.fori_loop(0, R, zrow, 0)

    pltpu.sync_copy(pidx_hbm.at[pl.ds(base, hpw)], idx_v)

    def group(g, c):
        touched = []
        for r in range(R):
            row = jnp.full((16,), r, jnp.int32)
            for half in range(2):
                pv = idx_v[g * R + r, pl.ds(16 * half, 16)]
                iv = pv & ((1 << SBIT) - 1)
                sv = (1 - ((pv >> SBIT) << 1)).astype(jnp.float32)
                if remap:
                    iv = ((iv & (NBITS - 1)) << 7) | (iv >> 4)
                plsc.addupdate_scatter(wbuf, [row, iv], sv)
                touched.append((row, iv))
        pltpu.sync_copy(wbuf, w_hbm.at[gbase + g])
        for row, iv in touched:
            plsc.store_scatter(wbuf, [row, iv], zero16)
        return c
    lax.fori_loop(0, ng, group, 0)


def _make_build(d, remap, hs):
    hpw = hs // NW
    return pl.kernel(
        functools.partial(_build_body, d=d, remap=remap, hpw=hpw),
        out_type=jax.ShapeDtypeStruct((hs // 8, 8, d), jnp.float32),
        mesh=_mesh,
        compiler_params=pltpu.CompilerParams(needs_layout_passes=False),
        scratch_types=[
            pltpu.VMEM((hpw, K), jnp.int32),
            pltpu.VMEM((R, d), jnp.float32),
        ],
    )


_build0 = _make_build(ENC, True, H)
_build1 = _make_build(H, False, H)


def _encode_body(x_ref, out_ref):
    x = x_ref[...]
    for t in range(NBITS):
        th = (t + 0.5) / NBITS
        out_ref[:, t * F:(t + 1) * F] = (x >= th).astype(jnp.bfloat16)


def _mm0_body(enc_ref, w_ref, out_ref):
    hb = w_ref.shape[0] * 8
    w = w_ref[...].reshape(hb, ENC)
    s = lax.dot_general(enc_ref[...], w.astype(jnp.bfloat16),
                        (((1,), (1,)), ((), ())),
                        preferred_element_type=jnp.float32)
    out_ref[...] = (s >= THRESH).astype(jnp.bfloat16)


def _mm0(enc, wt, hb):
    return pl.pallas_call(
        _mm0_body,
        grid=(H // hb,),
        in_specs=[
            pl.BlockSpec((B, ENC), lambda j: (0, 0)),
            pl.BlockSpec((hb // 8, 8, ENC), lambda j: (j, 0, 0)),
        ],
        out_specs=pl.BlockSpec((B, hb), lambda j: (0, j)),
        out_shape=jax.ShapeDtypeStruct((B, H), jnp.bfloat16),
    )(enc, wt)


def _mm1_out_body(a0_ref, a0blk_ref, w_ref, o0_ref, o1_ref, out_ref):
    j = pl.program_id(0)
    hb = w_ref.shape[0] * 8
    w = w_ref[...].reshape(hb, H).astype(jnp.bfloat16)
    s = lax.dot_general(a0_ref[...], w,
                        (((1,), (1,)), ((), ())),
                        preferred_element_type=jnp.float32)
    a1b = (s >= THRESH).astype(jnp.float32)
    o0 = o0_ref[...].reshape(C, hb)
    o1 = o1_ref[...].reshape(C, hb)
    part = (lax.dot_general(a0blk_ref[...].astype(jnp.float32), o0,
                            (((1,), (1,)), ((), ())),
                            preferred_element_type=jnp.float32)
            + lax.dot_general(a1b, o1, (((1,), (1,)), ((), ())),
                              preferred_element_type=jnp.float32))

    @pl.when(j == 0)
    def _init():
        out_ref[...] = part

    @pl.when(j > 0)
    def _acc():
        out_ref[...] += part


def _mm1(a0, w1t, outWt, hb):
    ins = [a0, a0, w1t, outWt, outWt]
    specs = [
        pl.BlockSpec((B, H), lambda j: (0, 0)),
        pl.BlockSpec((B, hb), lambda j: (0, j)),
        pl.BlockSpec((hb // 8, 8, H), lambda j: (j, 0, 0)),
        pl.BlockSpec((1, C, hb), lambda j: (0, 0, j)),
        pl.BlockSpec((1, C, hb), lambda j: (1, 0, j)),
    ]
    return pl.pallas_call(
        _mm1_out_body,
        grid=(H // hb,),
        in_specs=specs,
        out_specs=pl.BlockSpec((B, C), lambda j: (0, 0)),
        out_shape=jax.ShapeDtypeStruct((B, C), jnp.float32),
    )(*ins)


def kernel(x, idx0, sgn0, idx1, sgn1, outW):
    outWt = jnp.transpose(outW, (0, 2, 1))
    p0 = idx0.astype(jnp.int32) | ((sgn0 < 0).astype(jnp.int32) << SBIT)
    p1 = idx1.astype(jnp.int32) | ((sgn1 < 0).astype(jnp.int32) << SBIT)
    w0t = _build0(p0)
    w1t = _build1(p1)
    enc = pl.pallas_call(
        _encode_body,
        out_shape=jax.ShapeDtypeStruct((B, ENC), jnp.bfloat16),
    )(x)
    hb = 512
    a0 = _mm0(enc, w0t, hb)
    out = _mm1(a0, w1t, outWt, hb)
    return out

# --- scband reference (transcript-rebuilt; emitter-appended) ---
"""Pipeline reference for scband-eisanimodel-13941463843069 (READ-ONLY COPY).

The authoritative reference and input builder live on the scoring server;
editing this copy changes nothing except your own understanding.
"""

import jax, jax.numpy as jnp
import numpy as np

B = 512
F = 128
NBITS = 16
ENC = F * NBITS
H = 4096
K = 32
C = 1000
THRESH = 8.0


def setup_inputs(seed: int = 0) -> dict:
    key = jax.random.key(seed)
    k1, k2, k3, k4, k5, k6, k7 = jax.random.split(key, 7)
    x = jax.random.uniform(k1, (B, F), dtype=jnp.float32)
    # hidden connection matrices stored as (indices, signs) per neuron segment
    idx0 = jax.random.randint(k2, (H, K), 0, ENC)
    sgn0 = (jax.random.randint(k3, (H, K), 0, 2) * 2 - 1).astype(jnp.float32)
    idx1 = jax.random.randint(k4, (H, K), 0, H)
    sgn1 = (jax.random.randint(k5, (H, K), 0, 2) * 2 - 1).astype(jnp.float32)
    # float (non-binary) output connection matrix [numHiddenLayers, H, C], sparse-ish
    w = jax.random.uniform(k6, (2, H, C), dtype=jnp.float32)
    m = (jax.random.uniform(k7, (2, H, C)) < 0.05).astype(jnp.float32)
    outW = w * m
    return {"x": x, "idx0": idx0, "sgn0": sgn0, "idx1": idx1, "sgn1": sgn1, "outW": outW}


def _encode(x):
    # thermometer (graycode-free) continuous variable encoding, NBITS per feature
    th = (jnp.arange(NBITS, dtype=jnp.float32) + 0.5) / NBITS
    bits = (x[:, :, None] >= th[None, None, :]).astype(jnp.float32)
    return bits.reshape(x.shape[0], F * NBITS)


def _hidden_layer(prev, idx, sgn):
    # sparse segment: each neuron gathers K presynaptic activations (SparseCore gather)
    g = jnp.take(prev, idx.reshape(-1), axis=1).reshape(prev.shape[0], H, K)
    s = jnp.einsum('bhk,hk->bh', g, sgn)
    return (s >= THRESH).astype(jnp.float32)


def reference(x, idx0, sgn0, idx1, sgn1, outW):
    enc = _encode(x)
    a0 = _hidden_layer(enc, idx0, sgn0)
    a1 = _hidden_layer(a0, idx1, sgn1)
    # accumulate class scores from every hidden layer via outputConnectionMatrix
    out = a0 @ outW[0] + a1 @ outW[1]
    return out

if __name__ == "__main__":
    import jax
    _d = setup_inputs()
    print(jax.jit(kernel)(*tuple(_d.values())))

</pallas_src>

<mosaic_0001>
#map = affine_map<(d0, d1) -> (0, 0)>
#map1 = affine_map<(d0, d1) -> (0, 0, 0)>
module attributes {stable_mosaic.version = 14 : i64} {
  func.func @_build_body(%arg0: i32, %arg1: i32, %arg2: memref<4096x32xi32, #tpu.memory_space<hbm>>, %arg3: memref<512x8x4096xf32, #tpu.memory_space<hbm>>, %arg4: memref<128x32xi32, #tpu.memory_space<vmem>>, %arg5: memref<8x4096xf32, #tpu.memory_space<vmem>>) attributes {dimension_semantics = [#tpu.dimension_semantics<core_parallel>, #tpu.dimension_semantics<subcore_parallel>], iteration_bounds = array<i64: 2, 16>, scalar_prefetch = 0 : i64, scratch_operands = 2 : i64, tpu.core_type = #tpu.core_type<sc_vector_subcore>, window_params = [{transform_indices = #map}, {transform_indices = #map1}]} {
    %mul3A = arith.constant 2 : i32
    %mul3A_0 = arith.muli %arg1, %mul3A : i32
    %add3A = arith.addi %mul3A_0, %arg0 : i32
    %mul3A_1 = arith.constant 128 : i32
    %mul3A_2 = arith.muli %add3A, %mul3A_1 : i32
    %mul3A_3 = arith.constant 16 : i32
    %mul3A_4 = arith.muli %add3A, %mul3A_3 : i32
    %broadcast_in_dim3A = arith.constant 0.000000e+00 : f32
    %broadcast_in_dim3A_5 = vector.broadcast %broadcast_in_dim3A : f32 to vector<16xf32>
    %scan3A = arith.constant 0 : i32
    %scan3A_6 = arith.constant 0 : i32
    %scan3A_7 = arith.constant 8 : i32
    %scan3A_8 = arith.addi %scan3A_6, %scan3A_7 : i32
    %scan3A_9 = arith.constant 1 : i32
    scf.for %scan3A_17 = %scan3A_6 to %scan3A_8 step %scan3A_9  : i32 {
      %scan3A_18 = arith.constant 0 : i32
      %scan3A_19 = arith.constant 256 : i32
      %scan3A_20 = arith.addi %scan3A_18, %scan3A_19 : i32
      %scan3A_21 = arith.constant 1 : i32
      scf.for %scan3A_23 = %scan3A_18 to %scan3A_20 step %scan3A_21  : i32 {
        %mul3A_24 = arith.constant 16 : i32
        %mul3A_25 = arith.muli %scan3A_23, %mul3A_24 : i32
        %swap3A = arith.index_cast %scan3A_17 : i32 to index
        %swap3A_26 = arith.index_cast %mul3A_25 : i32 to index
        %swap3A_27 = tpu.vector_load %arg5[%swap3A, %swap3A_26] {strides = array<i32>} : memref<8x4096xf32, #tpu.memory_space<vmem>>, vector<16xf32>,
        tpu.vector_store %arg5[%swap3A, %swap3A_26], %broadcast_in_dim3A_5 {strides = array<i32>} : memref<8x4096xf32, #tpu.memory_space<vmem>>, vector<16xf32>,
      }
      %scan3A_22 = arith.constant 256 : i32
    }
    %scan3A_10 = arith.constant 8 : i32
    "tpu.region"() ({
      %run_scoped3A = tpu.sem_alloc : memref<!tpu.dma_semaphore, #tpu.memory_space<semaphore_mem>>
      %dma_start3A = arith.constant 0 : i32
      %dma_start3A_17 = tpu.memref_slice %arg2[%mul3A_2, %dma_start3A] : memref<4096x32xi32, #tpu.memory_space<hbm>> -> memref<128x32xi32, #tpu.memory_space<hbm>>
      %dma_start3A_18 = arith.constant 0 : i32
      %dma_start3A_19 = tpu.memref_slice %arg2[%mul3A_2, %dma_start3A_18] : memref<4096x32xi32, #tpu.memory_space<hbm>> -> memref<128x32xi32, #tpu.memory_space<hbm>>
      tpu.enqueue_dma source(%dma_start3A_19 : memref<128x32xi32, #tpu.memory_space<hbm>>) target(%arg4 : memref<128x32xi32, #tpu.memory_space<vmem>>) target_semaphore(%run_scoped3A : memref<!tpu.dma_semaphore, #tpu.memory_space<semaphore_mem>>)
      %dma_wait3A = arith.constant 0 : i32
      %dma_wait3A_20 = tpu.memref_slice %arg2[%mul3A_2, %dma_wait3A] : memref<4096x32xi32, #tpu.memory_space<hbm>> -> memref<128x32xi32, #tpu.memory_space<hbm>>
      %dma_wait3A_21 = arith.constant 0 : i32
      %dma_wait3A_22 = tpu.memref_slice %arg2[%mul3A_2, %dma_wait3A_21] : memref<4096x32xi32, #tpu.memory_space<hbm>> -> memref<128x32xi32, #tpu.memory_space<hbm>>
      tpu.wait_dma2 semaphore(%run_scoped3A : memref<!tpu.dma_semaphore, #tpu.memory_space<semaphore_mem>>) src(%dma_wait3A_22 : memref<128x32xi32, #tpu.memory_space<hbm>>) dst(%arg4 : memref<128x32xi32, #tpu.memory_space<vmem>>)
      tpu.yield
    }) : () -> ()
    %scan3A_11 = arith.constant 0 : i32
    %scan3A_12 = arith.constant 0 : i32
    %scan3A_13 = arith.constant 16 : i32
    %scan3A_14 = arith.addi %scan3A_12, %scan3A_13 : i32
    %scan3A_15 = arith.constant 1 : i32
    scf.for %scan3A_17 = %scan3A_12 to %scan3A_14 step %scan3A_15  : i32 {
      %broadcast_in_dim3A_18 = arith.constant 0 : i32
      %broadcast_in_dim3A_19 = vector.broadcast %broadcast_in_dim3A_18 : i32 to vector<16xi32>
      %mul3A_20 = arith.constant 8 : i32
      %mul3A_21 = arith.muli %scan3A_17, %mul3A_20 : i32
      %add3A_22 = arith.constant 0 : i32
      %add3A_23 = arith.addi %mul3A_21, %add3A_22 : i32
      %get3A = arith.index_cast %add3A_23 : i32 to index
      %get3A_24 = arith.constant 0 : index
      %get3A_25 = tpu.vector_load %arg4[%get3A, %get3A_24] {strides = array<i32>} : memref<128x32xi32, #tpu.memory_space<vmem>>, vector<16xi32>,
      %and3A = arith.constant 8191 : i32
      %and3A_26 = vector.broadcast %and3A : i32 to vector<16xi32>
      %and3A_27 = arith.andi %get3A_25, %and3A_26 : vector<16xi32>
      %shift_right_arithmetic3A = arith.constant 13 : i32
      %shift_right_arithmetic3A_28 = vector.broadcast %shift_right_arithmetic3A : i32 to vector<16xi32>
      %shift_right_arithmetic3A_29 = arith.shrsi %get3A_25, %shift_right_arithmetic3A_28 : vector<16xi32>
      %shift_left3A = arith.constant 1 : i32
      %shift_left3A_30 = vector.broadcast %shift_left3A : i32 to vector<16xi32>
      %shift_left3A_31 = arith.shli %shift_right_arithmetic3A_29, %shift_left3A_30 : vector<16xi32>
      %sub3A = arith.constant 1 : i32
      %sub3A_32 = vector.broadcast %sub3A : i32 to vector<16xi32>
      %sub3A_33 = arith.subi %sub3A_32, %shift_left3A_31 : vector<16xi32>
      %convert_element_type3A = arith.sitofp %sub3A_33 : vector<16xi32> to vector<16xf32>
      tpu.vector_store_idx %arg5[%broadcast_in_dim3A_19, %and3A_27], %convert_element_type3A {add = true} : memref<8x4096xf32, #tpu.memory_space<vmem>>[vector<16xi32>, vector<16xi32>], vector<16xf32>,
      %mul3A_34 = arith.constant 8 : i32
      %mul3A_35 = arith.muli %scan3A_17, %mul3A_34 : i32
      %add3A_36 = arith.constant 0 : i32
      %add3A_37 = arith.addi %mul3A_35, %add3A_36 : i32
      %get3A_38 = arith.index_cast %add3A_37 : i32 to index
      %get3A_39 = arith.constant 16 : index
      %get3A_40 = tpu.vector_load %arg4[%get3A_38, %get3A_39] {strides = array<i32>} : memref<128x32xi32, #tpu.memory_space<vmem>>, vector<16xi32>,
      %and3A_41 = arith.constant 8191 : i32
      %and3A_42 = vector.broadcast %and3A_41 : i32 to vector<16xi32>
      %and3A_43 = arith.andi %get3A_40, %and3A_42 : vector<16xi32>
      %shift_right_arithmetic3A_44 = arith.constant 13 : i32
      %shift_right_arithmetic3A_45 = vector.broadcast %shift_right_arithmetic3A_44 : i32 to vector<16xi32>
      %shift_right_arithmetic3A_46 = arith.shrsi %get3A_40, %shift_right_arithmetic3A_45 : vector<16xi32>
      %shift_left3A_47 = arith.constant 1 : i32
      %shift_left3A_48 = vector.broadcast %shift_left3A_47 : i32 to vector<16xi32>
      %shift_left3A_49 = arith.shli %shift_right_arithmetic3A_46, %shift_left3A_48 : vector<16xi32>
      %sub3A_50 = arith.constant 1 : i32
      %sub3A_51 = vector.broadcast %sub3A_50 : i32 to vector<16xi32>
      %sub3A_52 = arith.subi %sub3A_51, %shift_left3A_49 : vector<16xi32>
      %convert_element_type3A_53 = arith.sitofp %sub3A_52 : vector<16xi32> to vector<16xf32>
      tpu.vector_store_idx %arg5[%broadcast_in_dim3A_19, %and3A_43], %convert_element_type3A_53 {add = true} : memref<8x4096xf32, #tpu.memory_space<vmem>>[vector<16xi32>, vector<16xi32>], vector<16xf32>,
      %broadcast_in_dim3A_54 = arith.constant 1 : i32
      %broadcast_in_dim3A_55 = vector.broadcast %broadcast_in_dim3A_54 : i32 to vector<16xi32>
      %mul3A_56 = arith.constant 8 : i32
      %mul3A_57 = arith.muli %scan3A_17, %mul3A_56 : i32
      %add3A_58 = arith.constant 1 : i32
      %add3A_59 = arith.addi %mul3A_57, %add3A_58 : i32
      %get3A_60 = arith.index_cast %add3A_59 : i32 to index
      %get3A_61 = arith.constant 0 : index
      %get3A_62 = tpu.vector_load %arg4[%get3A_60, %get3A_61] {strides = array<i32>} : memref<128x32xi32, #tpu.memory_space<vmem>>, vector<16xi32>,
      %and3A_63 = arith.constant 8191 : i32
      %and3A_64 = vector.broadcast %and3A_63 : i32 to vector<16xi32>
      %and3A_65 = arith.andi %get3A_62, %and3A_64 : vector<16xi32>
      %shift_right_arithmetic3A_66 = arith.constant 13 : i32
      %shift_right_arithmetic3A_67 = vector.broadcast %shift_right_arithmetic3A_66 : i32 to vector<16xi32>
      %shift_right_arithmetic3A_68 = arith.shrsi %get3A_62, %shift_right_arithmetic3A_67 : vector<16xi32>
      %shift_left3A_69 = arith.constant 1 : i32
      %shift_left3A_70 = vector.broadcast %shift_left3A_69 : i32 to vector<16xi32>
      %shift_left3A_71 = arith.shli %shift_right_arithmetic3A_68, %shift_left3A_70 : vector<16xi32>
      %sub3A_72 = arith.constant 1 : i32
      %sub3A_73 = vector.broadcast %sub3A_72 : i32 to vector<16xi32>
      %sub3A_74 = arith.subi %sub3A_73, %shift_left3A_71 : vector<16xi32>
      %convert_element_type3A_75 = arith.sitofp %sub3A_74 : vector<16xi32> to vector<16xf32>
      tpu.vector_store_idx %arg5[%broadcast_in_dim3A_55, %and3A_65], %convert_element_type3A_75 {add = true} : memref<8x4096xf32, #tpu.memory_space<vmem>>[vector<16xi32>, vector<16xi32>], vector<16xf32>,
      %mul3A_76 = arith.constant 8 : i32
      %mul3A_77 = arith.muli %scan3A_17, %mul3A_76 : i32
      %add3A_78 = arith.constant 1 : i32
      %add3A_79 = arith.addi %mul3A_77, %add3A_78 : i32
      %get3A_80 = arith.index_cast %add3A_79 : i32 to index
      %get3A_81 = arith.constant 16 : index
      %get3A_82 = tpu.vector_load %arg4[%get3A_80, %get3A_81] {strides = array<i32>} : memref<128x32xi32, #tpu.memory_space<vmem>>, vector<16xi32>,
      %and3A_83 = arith.constant 8191 : i32
      %and3A_84 = vector.broadcast %and3A_83 : i32 to vector<16xi32>
      %and3A_85 = arith.andi %get3A_82, %and3A_84 : vector<16xi32>
      %shift_right_arithmetic3A_86 = arith.constant 13 : i32
      %shift_right_arithmetic3A_87 = vector.broadcast %shift_right_arithmetic3A_86 : i32 to vector<16xi32>
      %shift_right_arithmetic3A_88 = arith.shrsi %get3A_82, %shift_right_arithmetic3A_87 : vector<16xi32>
      %shift_left3A_89 = arith.constant 1 : i32
      %shift_left3A_90 = vector.broadcast %shift_left3A_89 : i32 to vector<16xi32>
      %shift_left3A_91 = arith.shli %shift_right_arithmetic3A_88, %shift_left3A_90 : vector<16xi32>
      %sub3A_92 = arith.constant 1 : i32
      %sub3A_93 = vector.broadcast %sub3A_92 : i32 to vector<16xi32>
      %sub3A_94 = arith.subi %sub3A_93, %shift_left3A_91 : vector<16xi32>
      %convert_element_type3A_95 = arith.sitofp %sub3A_94 : vector<16xi32> to vector<16xf32>
      tpu.vector_store_idx %arg5[%broadcast_in_dim3A_55, %and3A_85], %convert_element_type3A_95 {add = true} : memref<8x4096xf32, #tpu.memory_space<vmem>>[vector<16xi32>, vector<16xi32>], vector<16xf32>,
      %broadcast_in_dim3A_96 = arith.constant 2 : i32
      %broadcast_in_dim3A_97 = vector.broadcast %broadcast_in_dim3A_96 : i32 to vector<16xi32>
      %mul3A_98 = arith.constant 8 : i32
      %mul3A_99 = arith.muli %scan3A_17, %mul3A_98 : i32
      %add3A_100 = arith.constant 2 : i32
      %add3A_101 = arith.addi %mul3A_99, %add3A_100 : i32
      %get3A_102 = arith.index_cast %add3A_101 : i32 to index
      %get3A_103 = arith.constant 0 : index
      %get3A_104 = tpu.vector_load %arg4[%get3A_102, %get3A_103] {strides = array<i32>} : memref<128x32xi32, #tpu.memory_space<vmem>>, vector<16xi32>,
      %and3A_105 = arith.constant 8191 : i32
      %and3A_106 = vector.broadcast %and3A_105 : i32 to vector<16xi32>
      %and3A_107 = arith.andi %get3A_104, %and3A_106 : vector<16xi32>
      %shift_right_arithmetic3A_108 = arith.constant 13 : i32
      %shift_right_arithmetic3A_109 = vector.broadcast %shift_right_arithmetic3A_108 : i32 to vector<16xi32>
      %shift_right_arithmetic3A_110 = arith.shrsi %get3A_104, %shift_right_arithmetic3A_109 : vector<16xi32>
      %shift_left3A_111 = arith.constant 1 : i32
      %shift_left3A_112 = vector.broadcast %shift_left3A_111 : i32 to vector<16xi32>
      %shift_left3A_113 = arith.shli %shift_right_arithmetic3A_110, %shift_left3A_112 : vector<16xi32>
      %sub3A_114 = arith.constant 1 : i32
      %sub3A_115 = vector.broadcast %sub3A_114 : i32 to vector<16xi32>
      %sub3A_116 = arith.subi %sub3A_115, %shift_left3A_113 : vector<16xi32>
      %convert_element_type3A_117 = arith.sitofp %sub3A_116 : vector<16xi32> to vector<16xf32>
      tpu.vector_store_idx %arg5[%broadcast_in_dim3A_97, %and3A_107], %convert_element_type3A_117 {add = true} : memref<8x4096xf32, #tpu.memory_space<vmem>>[vector<16xi32>, vector<16xi32>], vector<16xf32>,
      %mul3A_118 = arith.constant 8 : i32
      %mul3A_119 = arith.muli %scan3A_17, %mul3A_118 : i32
      %add3A_120 = arith.constant 2 : i32
      %add3A_121 = arith.addi %mul3A_119, %add3A_120 : i32
      %get3A_122 = arith.index_cast %add3A_121 : i32 to index
      %get3A_123 = arith.constant 16 : index
      %get3A_124 = tpu.vector_load %arg4[%get3A_122, %get3A_123] {strides = array<i32>} : memref<128x32xi32, #tpu.memory_space<vmem>>, vector<16xi32>,
      %and3A_125 = arith.constant 8191 : i32
      %and3A_126 = vector.broadcast %and3A_125 : i32 to vector<16xi32>
      %and3A_127 = arith.andi %get3A_124, %and3A_126 : vector<16xi32>
      %shift_right_arithmetic3A_128 = arith.constant 13 : i32
      %shift_right_arithmetic3A_129 = vector.broadcast %shift_right_arithmetic3A_128 : i32 to vector<16xi32>
      %shift_right_arithmetic3A_130 = arith.shrsi %get3A_124, %shift_right_arithmetic3A_129 : vector<16xi32>
      %shift_left3A_131 = arith.constant 1 : i32
      %shift_left3A_132 = vector.broadcast %shift_left3A_131 : i32 to vector<16xi32>
      %shift_left3A_133 = arith.shli %shift_right_arithmetic3A_130, %shift_left3A_132 : vector<16xi32>
      %sub3A_134 = arith.constant 1 : i32
      %sub3A_135 = vector.broadcast %sub3A_134 : i32 to vector<16xi32>
      %sub3A_136 = arith.subi %sub3A_135, %shift_left3A_133 : vector<16xi32>
      %convert_element_type3A_137 = arith.sitofp %sub3A_136 : vector<16xi32> to vector<16xf32>
      tpu.vector_store_idx %arg5[%broadcast_in_dim3A_97, %and3A_127], %convert_element_type3A_137 {add = true} : memref<8x4096xf32, #tpu.memory_space<vmem>>[vector<16xi32>, vector<16xi32>], vector<16xf32>,
      %broadcast_in_dim3A_138 = arith.constant 3 : i32
      %broadcast_in_dim3A_139 = vector.broadcast %broadcast_in_dim3A_138 : i32 to vector<16xi32>
      %mul3A_140 = arith.constant 8 : i32
      %mul3A_141 = arith.muli %scan3A_17, %mul3A_140 : i32
      %add3A_142 = arith.constant 3 : i32
      %add3A_143 = arith.addi %mul3A_141, %add3A_142 : i32
      %get3A_144 = arith.index_cast %add3A_143 : i32 to index
      %get3A_145 = arith.constant 0 : index
      %get3A_146 = tpu.vector_load %arg4[%get3A_144, %get3A_145] {strides = array<i32>} : memref<128x32xi32, #tpu.memory_space<vmem>>, vector<16xi32>,
      %and3A_147 = arith.constant 8191 : i32
      %and3A_148 = vector.broadcast %and3A_147 : i32 to vector<16xi32>
      %and3A_149 = arith.andi %get3A_146, %and3A_148 : vector<16xi32>
      %shift_right_arithmetic3A_150 = arith.constant 13 : i32
      %shift_right_arithmetic3A_151 = vector.broadcast %shift_right_arithmetic3A_150 : i32 to vector<16xi32>
      %shift_right_arithmetic3A_152 = arith.shrsi %get3A_146, %shift_right_arithmetic3A_151 : vector<16xi32>
      %shift_left3A_153 = arith.constant 1 : i32
      %shift_left3A_154 = vector.broadcast %shift_left3A_153 : i32 to vector<16xi32>
      %shift_left3A_155 = arith.shli %shift_right_arithmetic3A_152, %shift_left3A_154 : vector<16xi32>
      %sub3A_156 = arith.constant 1 : i32
      %sub3A_157 = vector.broadcast %sub3A_156 : i32 to vector<16xi32>
      %sub3A_158 = arith.subi %sub3A_157, %shift_left3A_155 : vector<16xi32>
      %convert_element_type3A_159 = arith.sitofp %sub3A_158 : vector<16xi32> to vector<16xf32>
      tpu.vector_store_idx %arg5[%broadcast_in_dim3A_139, %and3A_149], %convert_element_type3A_159 {add = true} : memref<8x4096xf32, #tpu.memory_space<vmem>>[vector<16xi32>, vector<16xi32>], vector<16xf32>,
      %mul3A_160 = arith.constant 8 : i32
      %mul3A_161 = arith.muli %scan3A_17, %mul3A_160 : i32
      %add3A_162 = arith.constant 3 : i32
      %add3A_163 = arith.addi %mul3A_161, %add3A_162 : i32
      %get3A_164 = arith.index_cast %add3A_163 : i32 to index
      %get3A_165 = arith.constant 16 : index
      %get3A_166 = tpu.vector_load %arg4[%get3A_164, %get3A_165] {strides = array<i32>} : memref<128x32xi32, #tpu.memory_space<vmem>>, vector<16xi32>,
      %and3A_167 = arith.constant 8191 : i32
      %and3A_168 = vector.broadcast %and3A_167 : i32 to vector<16xi32>
      %and3A_169 = arith.andi %get3A_166, %and3A_168 : vector<16xi32>
      %shift_right_arithmetic3A_170 = arith.constant 13 : i32
      %shift_right_arithmetic3A_171 = vector.broadcast %shift_right_arithmetic3A_170 : i32 to vector<16xi32>
      %shift_right_arithmetic3A_172 = arith.shrsi %get3A_166, %shift_right_arithmetic3A_171 : vector<16xi32>
      %shift_left3A_173 = arith.constant 1 : i32
      %shift_left3A_174 = vector.broadcast %shift_left3A_173 : i32 to vector<16xi32>
      %shift_left3A_175 = arith.shli %shift_right_arithmetic3A_172, %shift_left3A_174 : vector<16xi32>
      %sub3A_176 = arith.constant 1 : i32
      %sub3A_177 = vector.broadcast %sub3A_176 : i32 to vector<16xi32>
      %sub3A_178 = arith.subi %sub3A_177, %shift_left3A_175 : vector<16xi32>
      %convert_element_type3A_179 = arith.sitofp %sub3A_178 : vector<16xi32> to vector<16xf32>
      tpu.vector_store_idx %arg5[%broadcast_in_dim3A_139, %and3A_169], %convert_element_type3A_179 {add = true} : memref<8x4096xf32, #tpu.memory_space<vmem>>[vector<16xi32>, vector<16xi32>], vector<16xf32>,
      %broadcast_in_dim3A_180 = arith.constant 4 : i32
      %broadcast_in_dim3A_181 = vector.broadcast %broadcast_in_dim3A_180 : i32 to vector<16xi32>
      %mul3A_182 = arith.constant 8 : i32
      %mul3A_183 = arith.muli %scan3A_17, %mul3A_182 : i32
      %add3A_184 = arith.constant 4 : i32
      %add3A_185 = arith.addi %mul3A_183, %add3A_184 : i32
      %get3A_186 = arith.index_cast %add3A_185 : i32 to index
      %get3A_187 = arith.constant 0 : index
      %get3A_188 = tpu.vector_load %arg4[%get3A_186, %get3A_187] {strides = array<i32>} : memref<128x32xi32, #tpu.memory_space<vmem>>, vector<16xi32>,
      %and3A_189 = arith.constant 8191 : i32
      %and3A_190 = vector.broadcast %and3A_189 : i32 to vector<16xi32>
      %and3A_191 = arith.andi %get3A_188, %and3A_190 : vector<16xi32>
      %shift_right_arithmetic3A_192 = arith.constant 13 : i32
      %shift_right_arithmetic3A_193 = vector.broadcast %shift_right_arithmetic3A_192 : i32 to vector<16xi32>
      %shift_right_arithmetic3A_194 = arith.shrsi %get3A_188, %shift_right_arithmetic3A_193 : vector<16xi32>
      %shift_left3A_195 = arith.constant 1 : i32
      %shift_left3A_196 = vector.broadcast %shift_left3A_195 : i32 to vector<16xi32>
      %shift_left3A_197 = arith.shli %shift_right_arithmetic3A_194, %shift_left3A_196 : vector<16xi32>
      %sub3A_198 = arith.constant 1 : i32
      %sub3A_199 = vector.broadcast %sub3A_198 : i32 to vector<16xi32>
      %sub3A_200 = arith.subi %sub3A_199, %shift_left3A_197 : vector<16xi32>
      %convert_element_type3A_201 = arith.sitofp %sub3A_200 : vector<16xi32> to vector<16xf32>
      tpu.vector_store_idx %arg5[%broadcast_in_dim3A_181, %and3A_191], %convert_element_type3A_201 {add = true} : memref<8x4096xf32, #tpu.memory_space<vmem>>[vector<16xi32>, vector<16xi32>], vector<16xf32>,
      %mul3A_202 = arith.constant 8 : i32
      %mul3A_203 = arith.muli %scan3A_17, %mul3A_202 : i32
      %add3A_204 = arith.constant 4 : i32
      %add3A_205 = arith.addi %mul3A_203, %add3A_204 : i32
      %get3A_206 = arith.index_cast %add3A_205 : i32 to index
      %get3A_207 = arith.constant 16 : index
      %get3A_208 = tpu.vector_load %arg4[%get3A_206, %get3A_207] {strides = array<i32>} : memref<128x32xi32, #tpu.memory_space<vmem>>, vector<16xi32>,
      %and3A_209 = arith.constant 8191 : i32
      %and3A_210 = vector.broadcast %and3A_209 : i32 to vector<16xi32>
      %and3A_211 = arith.andi %get3A_208, %and3A_210 : vector<16xi32>
      %shift_right_arithmetic3A_212 = arith.constant 13 : i32
      %shift_right_arithmetic3A_213 = vector.broadcast %shift_right_arithmetic3A_212 : i32 to vector<16xi32>
      %shift_right_arithmetic3A_214 = arith.shrsi %get3A_208, %shift_right_arithmetic3A_213 : vector<16xi32>
      %shift_left3A_215 = arith.constant 1 : i32
      %shift_left3A_216 = vector.broadcast %shift_left3A_215 : i32 to vector<16xi32>
      %shift_left3A_217 = arith.shli %shift_right_arithmetic3A_214, %shift_left3A_216 : vector<16xi32>
      %sub3A_218 = arith.constant 1 : i32
      %sub3A_219 = vector.broadcast %sub3A_218 : i32 to vector<16xi32>
      %sub3A_220 = arith.subi %sub3A_219, %shift_left3A_217 : vector<16xi32>
      %convert_element_type3A_221 = arith.sitofp %sub3A_220 : vector<16xi32> to vector<16xf32>
      tpu.vector_store_idx %arg5[%broadcast_in_dim3A_181, %and3A_211], %convert_element_type3A_221 {add = true} : memref<8x4096xf32, #tpu.memory_space<vmem>>[vector<16xi32>, vector<16xi32>], vector<16xf32>,
      %broadcast_in_dim3A_222 = arith.constant 5 : i32
      %broadcast_in_dim3A_223 = vector.broadcast %broadcast_in_dim3A_222 : i32 to vector<16xi32>
      %mul3A_224 = arith.constant 8 : i32
      %mul3A_225 = arith.muli %scan3A_17, %mul3A_224 : i32
      %add3A_226 = arith.constant 5 : i32
      %add3A_227 = arith.addi %mul3A_225, %add3A_226 : i32
      %get3A_228 = arith.index_cast %add3A_227 : i32 to index
      %get3A_229 = arith.constant 0 : index
      %get3A_230 = tpu.vector_load %arg4[%get3A_228, %get3A_229] {strides = array<i32>} : memref<128x32xi32, #tpu.memory_space<vmem>>, vector<16xi32>,
      %and3A_231 = arith.constant 8191 : i32
      %and3A_232 = vector.broadcast %and3A_231 : i32 to vector<16xi32>
      %and3A_233 = arith.andi %get3A_230, %and3A_232 : vector<16xi32>
      %shift_right_arithmetic3A_234 = arith.constant 13 : i32
      %shift_right_arithmetic3A_235 = vector.broadcast %shift_right_arithmetic3A_234 : i32 to vector<16xi32>
      %shift_right_arithmetic3A_236 = arith.shrsi %get3A_230, %shift_right_arithmetic3A_235 : vector<16xi32>
      %shift_left3A_237 = arith.constant 1 : i32
      %shift_left3A_238 = vector.broadcast %shift_left3A_237 : i32 to vector<16xi32>
      %shift_left3A_239 = arith.shli %shift_right_arithmetic3A_236, %shift_left3A_238 : vector<16xi32>
      %sub3A_240 = arith.constant 1 : i32
      %sub3A_241 = vector.broadcast %sub3A_240 : i32 to vector<16xi32>
      %sub3A_242 = arith.subi %sub3A_241, %shift_left3A_239 : vector<16xi32>
      %convert_element_type3A_243 = arith.sitofp %sub3A_242 : vector<16xi32> to vector<16xf32>
      tpu.vector_store_idx %arg5[%broadcast_in_dim3A_223, %and3A_233], %convert_element_type3A_243 {add = true} : memref<8x4096xf32, #tpu.memory_space<vmem>>[vector<16xi32>, vector<16xi32>], vector<16xf32>,
      %mul3A_244 = arith.constant 8 : i32
      %mul3A_245 = arith.muli %scan3A_17, %mul3A_244 : i32
      %add3A_246 = arith.constant 5 : i32
      %add3A_247 = arith.addi %mul3A_245, %add3A_246 : i32
      %get3A_248 = arith.index_cast %add3A_247 : i32 to index
      %get3A_249 = arith.constant 16 : index
      %get3A_250 = tpu.vector_load %arg4[%get3A_248, %get3A_249] {strides = array<i32>} : memref<128x32xi32, #tpu.memory_space<vmem>>, vector<16xi32>,
      %and3A_251 = arith.constant 8191 : i32
      %and3A_252 = vector.broadcast %and3A_251 : i32 to vector<16xi32>
      %and3A_253 = arith.andi %get3A_250, %and3A_252 : vector<16xi32>
      %shift_right_arithmetic3A_254 = arith.constant 13 : i32
      %shift_right_arithmetic3A_255 = vector.broadcast %shift_right_arithmetic3A_254 : i32 to vector<16xi32>
      %shift_right_arithmetic3A_256 = arith.shrsi %get3A_250, %shift_right_arithmetic3A_255 : vector<16xi32>
      %shift_left3A_257 = arith.constant 1 : i32
      %shift_left3A_258 = vector.broadcast %shift_left3A_257 : i32 to vector<16xi32>
      %shift_left3A_259 = arith.shli %shift_right_arithmetic3A_256, %shift_left3A_258 : vector<16xi32>
      %sub3A_260 = arith.constant 1 : i32
      %sub3A_261 = vector.broadcast %sub3A_260 : i32 to vector<16xi32>
      %sub3A_262 = arith.subi %sub3A_261, %shift_left3A_259 : vector<16xi32>
      %convert_element_type3A_263 = arith.sitofp %sub3A_262 : vector<16xi32> to vector<16xf32>
      tpu.vector_store_idx %arg5[%broadcast_in_dim3A_223, %and3A_253], %convert_element_type3A_263 {add = true} : memref<8x4096xf32, #tpu.memory_space<vmem>>[vector<16xi32>, vector<16xi32>], vector<16xf32>,
      %broadcast_in_dim3A_264 = arith.constant 6 : i32
      %broadcast_in_dim3A_265 = vector.broadcast %broadcast_in_dim3A_264 : i32 to vector<16xi32>
      %mul3A_266 = arith.constant 8 : i32
      %mul3A_267 = arith.muli %scan3A_17, %mul3A_266 : i32
      %add3A_268 = arith.constant 6 : i32
      %add3A_269 = arith.addi %mul3A_267, %add3A_268 : i32
      %get3A_270 = arith.index_cast %add3A_269 : i32 to index
      %get3A_271 = arith.constant 0 : index
      %get3A_272 = tpu.vector_load %arg4[%get3A_270, %get3A_271] {strides = array<i32>} : memref<128x32xi32, #tpu.memory_space<vmem>>, vector<16xi32>,
      %and3A_273 = arith.constant 8191 : i32
      %and3A_274 = vector.broadcast %and3A_273 : i32 to vector<16xi32>
      %and3A_275 = arith.andi %get3A_272, %and3A_274 : vector<16xi32>
      %shift_right_arithmetic3A_276 = arith.constant 13 : i32
      %shift_right_arithmetic3A_277 = vector.broadcast %shift_right_arithmetic3A_276 : i32 to vector<16xi32>
      %shift_right_arithmetic3A_278 = arith.shrsi %get3A_272, %shift_right_arithmetic3A_277 : vector<16xi32>
      %shift_left3A_279 = arith.constant 1 : i32
      %shift_left3A_280 = vector.broadcast %shift_left3A_279 : i32 to vector<16xi32>
      %shift_left3A_281 = arith.shli %shift_right_arithmetic3A_278, %shift_left3A_280 : vector<16xi32>
      %sub3A_282 = arith.constant 1 : i32
      %sub3A_283 = vector.broadcast %sub3A_282 : i32 to vector<16xi32>
      %sub3A_284 = arith.subi %sub3A_283, %shift_left3A_281 : vector<16xi32>
      %convert_element_type3A_285 = arith.sitofp %sub3A_284 : vector<16xi32> to vector<16xf32>
      tpu.vector_store_idx %arg5[%broadcast_in_dim3A_265, %and3A_275], %convert_element_type3A_285 {add = true} : memref<8x4096xf32, #tpu.memory_space<vmem>>[vector<16xi32>, vector<16xi32>], vector<16xf32>,
      %mul3A_286 = arith.constant 8 : i32
      %mul3A_287 = arith.muli %scan3A_17, %mul3A_286 : i32
      %add3A_288 = arith.constant 6 : i32
      %add3A_289 = arith.addi %mul3A_287, %add3A_288 : i32
      %get3A_290 = arith.index_cast %add3A_289 : i32 to index
      %get3A_291 = arith.constant 16 : index
      %get3A_292 = tpu.vector_load %arg4[%get3A_290, %get3A_291] {strides = array<i32>} : memref<128x32xi32, #tpu.memory_space<vmem>>, vector<16xi32>,
      %and3A_293 = arith.constant 8191 : i32
      %and3A_294 = vector.broadcast %and3A_293 : i32 to vector<16xi32>
      %and3A_295 = arith.andi %get3A_292, %and3A_294 : vector<16xi32>
      %shift_right_arithmetic3A_296 = arith.constant 13 : i32
      %shift_right_arithmetic3A_297 = vector.broadcast %shift_right_arithmetic3A_296 : i32 to vector<16xi32>
      %shift_right_arithmetic3A_298 = arith.shrsi %get3A_292, %shift_right_arithmetic3A_297 : vector<16xi32>
      %shift_left3A_299 = arith.constant 1 : i32
      %shift_left3A_300 = vector.broadcast %shift_left3A_299 : i32 to vector<16xi32>
      %shift_left3A_301 = arith.shli %shift_right_arithmetic3A_298, %shift_left3A_300 : vector<16xi32>
      %sub3A_302 = arith.constant 1 : i32
      %sub3A_303 = vector.broadcast %sub3A_302 : i32 to vector<16xi32>
      %sub3A_304 = arith.subi %sub3A_303, %shift_left3A_301 : vector<16xi32>
      %convert_element_type3A_305 = arith.sitofp %sub3A_304 : vector<16xi32> to vector<16xf32>
      tpu.vector_store_idx %arg5[%broadcast_in_dim3A_265, %and3A_295], %convert_element_type3A_305 {add = true} : memref<8x4096xf32, #tpu.memory_space<vmem>>[vector<16xi32>, vector<16xi32>], vector<16xf32>,
      %broadcast_in_dim3A_306 = arith.constant 7 : i32
      %broadcast_in_dim3A_307 = vector.broadcast %broadcast_in_dim3A_306 : i32 to vector<16xi32>
      %mul3A_308 = arith.constant 8 : i32
      %mul3A_309 = arith.muli %scan3A_17, %mul3A_308 : i32
      %add3A_310 = arith.constant 7 : i32
      %add3A_311 = arith.addi %mul3A_309, %add3A_310 : i32
      %get3A_312 = arith.index_cast %add3A_311 : i32 to index
      %get3A_313 = arith.constant 0 : index
      %get3A_314 = tpu.vector_load %arg4[%get3A_312, %get3A_313] {strides = array<i32>} : memref<128x32xi32, #tpu.memory_space<vmem>>, vector<16xi32>,
      %and3A_315 = arith.constant 8191 : i32
      %and3A_316 = vector.broadcast %and3A_315 : i32 to vector<16xi32>
      %and3A_317 = arith.andi %get3A_314, %and3A_316 : vector<16xi32>
      %shift_right_arithmetic3A_318 = arith.constant 13 : i32
      %shift_right_arithmetic3A_319 = vector.broadcast %shift_right_arithmetic3A_318 : i32 to vector<16xi32>
      %shift_right_arithmetic3A_320 = arith.shrsi %get3A_314, %shift_right_arithmetic3A_319 : vector<16xi32>
      %shift_left3A_321 = arith.constant 1 : i32
      %shift_left3A_322 = vector.broadcast %shift_left3A_321 : i32 to vector<16xi32>
      %shift_left3A_323 = arith.shli %shift_right_arithmetic3A_320, %shift_left3A_322 : vector<16xi32>
      %sub3A_324 = arith.constant 1 : i32
      %sub3A_325 = vector.broadcast %sub3A_324 : i32 to vector<16xi32>
      %sub3A_326 = arith.subi %sub3A_325, %shift_left3A_323 : vector<16xi32>
      %convert_element_type3A_327 = arith.sitofp %sub3A_326 : vector<16xi32> to vector<16xf32>
      tpu.vector_store_idx %arg5[%broadcast_in_dim3A_307, %and3A_317], %convert_element_type3A_327 {add = true} : memref<8x4096xf32, #tpu.memory_space<vmem>>[vector<16xi32>, vector<16xi32>], vector<16xf32>,
      %mul3A_328 = arith.constant 8 : i32
      %mul3A_329 = arith.muli %scan3A_17, %mul3A_328 : i32
      %add3A_330 = arith.constant 7 : i32
      %add3A_331 = arith.addi %mul3A_329, %add3A_330 : i32
      %get3A_332 = arith.index_cast %add3A_331 : i32 to index
      %get3A_333 = arith.constant 16 : index
      %get3A_334 = tpu.vector_load %arg4[%get3A_332, %get3A_333] {strides = array<i32>} : memref<128x32xi32, #tpu.memory_space<vmem>>, vector<16xi32>,
      %and3A_335 = arith.constant 8191 : i32
      %and3A_336 = vector.broadcast %and3A_335 : i32 to vector<16xi32>
      %and3A_337 = arith.andi %get3A_334, %and3A_336 : vector<16xi32>
      %shift_right_arithmetic3A_338 = arith.constant 13 : i32
      %shift_right_arithmetic3A_339 = vector.broadcast %shift_right_arithmetic3A_338 : i32 to vector<16xi32>
      %shift_right_arithmetic3A_340 = arith.shrsi %get3A_334, %shift_right_arithmetic3A_339 : vector<16xi32>
      %shift_left3A_341 = arith.constant 1 : i32
      %shift_left3A_342 = vector.broadcast %shift_left3A_341 : i32 to vector<16xi32>
      %shift_left3A_343 = arith.shli %shift_right_arithmetic3A_340, %shift_left3A_342 : vector<16xi32>
      %sub3A_344 = arith.constant 1 : i32
      %sub3A_345 = vector.broadcast %sub3A_344 : i32 to vector<16xi32>
      %sub3A_346 = arith.subi %sub3A_345, %shift_left3A_343 : vector<16xi32>
      %convert_element_type3A_347 = arith.sitofp %sub3A_346 : vector<16xi32> to vector<16xf32>
      tpu.vector_store_idx %arg5[%broadcast_in_dim3A_307, %and3A_337], %convert_element_type3A_347 {add = true} : memref<8x4096xf32, #tpu.memory_space<vmem>>[vector<16xi32>, vector<16xi32>], vector<16xf32>,
      %add3A_348 = arith.addi %mul3A_4, %scan3A_17 : i32
      "tpu.region"() ({
        %run_scoped3A = tpu.sem_alloc : memref<!tpu.dma_semaphore, #tpu.memory_space<semaphore_mem>>
        %dma_start3A = arith.constant 0 : i32
        %dma_start3A_349 = arith.constant 0 : i32
        %dma_start3A_350 = tpu.memref_slice %arg3[%add3A_348, %dma_start3A, %dma_start3A_349] : memref<512x8x4096xf32, #tpu.memory_space<hbm>> -> memref<1x8x4096xf32, #tpu.memory_space<hbm>>
        %dma_start3A_351 = tpu.memref_squeeze %dma_start3A_350 : memref<1x8x4096xf32, #tpu.memory_space<hbm>> -> memref<8x4096xf32, #tpu.memory_space<hbm>>
        %dma_start3A_352 = arith.constant 0 : i32
        %dma_start3A_353 = arith.constant 0 : i32
        %dma_start3A_354 = tpu.memref_slice %arg3[%add3A_348, %dma_start3A_352, %dma_start3A_353] : memref<512x8x4096xf32, #tpu.memory_space<hbm>> -> memref<1x8x4096xf32, #tpu.memory_space<hbm>>
        %dma_start3A_355 = tpu.memref_squeeze %dma_start3A_354 : memref<1x8x4096xf32, #tpu.memory_space<hbm>> -> memref<8x4096xf32, #tpu.memory_space<hbm>>
        tpu.enqueue_dma source(%arg5 : memref<8x4096xf32, #tpu.memory_space<vmem>>) target(%dma_start3A_355 : memref<8x4096xf32, #tpu.memory_space<hbm>>) target_semaphore(%run_scoped3A : memref<!tpu.dma_semaphore, #tpu.memory_space<semaphore_mem>>)
        %dma_wait3A = arith.constant 0 : i32
        %dma_wait3A_356 = arith.constant 0 : i32
        %dma_wait3A_357 = tpu.memref_slice %arg3[%add3A_348, %dma_wait3A, %dma_wait3A_356] : memref<512x8x4096xf32, #tpu.memory_space<hbm>> -> memref<1x8x4096xf32, #tpu.memory_space<hbm>>
        %dma_wait3A_358 = tpu.memref_squeeze %dma_wait3A_357 : memref<1x8x4096xf32, #tpu.memory_space<hbm>> -> memref<8x4096xf32, #tpu.memory_space<hbm>>
        %dma_wait3A_359 = arith.constant 0 : i32
        %dma_wait3A_360 = arith.constant 0 : i32
        %dma_wait3A_361 = tpu.memref_slice %arg3[%add3A_348, %dma_wait3A_359, %dma_wait3A_360] : memref<512x8x4096xf32, #tpu.memory_space<hbm>> -> memref<1x8x4096xf32, #tpu.memory_space<hbm>>
        %dma_wait3A_362 = tpu.memref_squeeze %dma_wait3A_361 : memref<1x8x4096xf32, #tpu.memory_space<hbm>> -> memref<8x4096xf32, #tpu.memory_space<hbm>>
        tpu.wait_dma2 semaphore(%run_scoped3A : memref<!tpu.dma_semaphore, #tpu.memory_space<semaphore_mem>>) src(%arg5 : memref<8x4096xf32, #tpu.memory_space<vmem>>) dst(%dma_wait3A_362 : memref<8x4096xf32, #tpu.memory_space<hbm>>)
        tpu.yield
      }) : () -> ()
      tpu.vector_store_idx %arg5[%broadcast_in_dim3A_19, %and3A_27], %broadcast_in_dim3A_5 : memref<8x4096xf32, #tpu.memory_space<vmem>>[vector<16xi32>, vector<16xi32>], vector<16xf32>,
      tpu.vector_store_idx %arg5[%broadcast_in_dim3A_19, %and3A_43], %broadcast_in_dim3A_5 : memref<8x4096xf32, #tpu.memory_space<vmem>>[vector<16xi32>, vector<16xi32>], vector<16xf32>,
      tpu.vector_store_idx %arg5[%broadcast_in_dim3A_55, %and3A_65], %broadcast_in_dim3A_5 : memref<8x4096xf32, #tpu.memory_space<vmem>>[vector<16xi32>, vector<16xi32>], vector<16xf32>,
      tpu.vector_store_idx %arg5[%broadcast_in_dim3A_55, %and3A_85], %broadcast_in_dim3A_5 : memref<8x4096xf32, #tpu.memory_space<vmem>>[vector<16xi32>, vector<16xi32>], vector<16xf32>,
      tpu.vector_store_idx %arg5[%broadcast_in_dim3A_97, %and3A_107], %broadcast_in_dim3A_5 : memref<8x4096xf32, #tpu.memory_space<vmem>>[vector<16xi32>, vector<16xi32>], vector<16xf32>,
      tpu.vector_store_idx %arg5[%broadcast_in_dim3A_97, %and3A_127], %broadcast_in_dim3A_5 : memref<8x4096xf32, #tpu.memory_space<vmem>>[vector<16xi32>, vector<16xi32>], vector<16xf32>,
      tpu.vector_store_idx %arg5[%broadcast_in_dim3A_139, %and3A_149], %broadcast_in_dim3A_5 : memref<8x4096xf32, #tpu.memory_space<vmem>>[vector<16xi32>, vector<16xi32>], vector<16xf32>,
      tpu.vector_store_idx %arg5[%broadcast_in_dim3A_139, %and3A_169], %broadcast_in_dim3A_5 : memref<8x4096xf32, #tpu.memory_space<vmem>>[vector<16xi32>, vector<16xi32>], vector<16xf32>,
      tpu.vector_store_idx %arg5[%broadcast_in_dim3A_181, %and3A_191], %broadcast_in_dim3A_5 : memref<8x4096xf32, #tpu.memory_space<vmem>>[vector<16xi32>, vector<16xi32>], vector<16xf32>,
      tpu.vector_store_idx %arg5[%broadcast_in_dim3A_181, %and3A_211], %broadcast_in_dim3A_5 : memref<8x4096xf32, #tpu.memory_space<vmem>>[vector<16xi32>, vector<16xi32>], vector<16xf32>,
      tpu.vector_store_idx %arg5[%broadcast_in_dim3A_223, %and3A_233], %broadcast_in_dim3A_5 : memref<8x4096xf32, #tpu.memory_space<vmem>>[vector<16xi32>, vector<16xi32>], vector<16xf32>,
      tpu.vector_store_idx %arg5[%broadcast_in_dim3A_223, %and3A_253], %broadcast_in_dim3A_5 : memref<8x4096xf32, #tpu.memory_space<vmem>>[vector<16xi32>, vector<16xi32>], vector<16xf32>,
      tpu.vector_store_idx %arg5[%broadcast_in_dim3A_265, %and3A_275], %broadcast_in_dim3A_5 : memref<8x4096xf32, #tpu.memory_space<vmem>>[vector<16xi32>, vector<16xi32>], vector<16xf32>,
      tpu.vector_store_idx %arg5[%broadcast_in_dim3A_265, %and3A_295], %broadcast_in_dim3A_5 : memref<8x4096xf32, #tpu.memory_space<vmem>>[vector<16xi32>, vector<16xi32>], vector<16xf32>,
      tpu.vector_store_idx %arg5[%broadcast_in_dim3A_307, %and3A_317], %broadcast_in_dim3A_5 : memref<8x4096xf32, #tpu.memory_space<vmem>>[vector<16xi32>, vector<16xi32>], vector<16xf32>,
      tpu.vector_store_idx %arg5[%broadcast_in_dim3A_307, %and3A_337], %broadcast_in_dim3A_5 : memref<8x4096xf32, #tpu.memory_space<vmem>>[vector<16xi32>, vector<16xi32>], vector<16xf32>,
    }
    %scan3A_16 = arith.constant 16 : i32
    return
  }
}

#map = affine_map<(d0, d1) -> (0, 0)>
#map1 = affine_map<(d0, d1) -> (0, 0, 0)>
module attributes {stable_mosaic.version = 14 : i64} {
  func.func @_build_body(%arg0: i32, %arg1: i32, %arg2: memref<4096x32xi32, #tpu.memory_space<hbm>>, %arg3: memref<512x8x2048xf32, #tpu.memory_space<hbm>>, %arg4: memref<128x32xi32, #tpu.memory_space<vmem>>, %arg5: memref<8x2048xf32, #tpu.memory_space<vmem>>) attributes {dimension_semantics = [#tpu.dimension_semantics<core_parallel>, #tpu.dimension_semantics<subcore_parallel>], iteration_bounds = array<i64: 2, 16>, scalar_prefetch = 0 : i64, scratch_operands = 2 : i64, tpu.core_type = #tpu.core_type<sc_vector_subcore>, window_params = [{transform_indices = #map}, {transform_indices = #map1}]} {
    %mul3A = arith.constant 2 : i32
    %mul3A_0 = arith.muli %arg1, %mul3A : i32
    %add3A = arith.addi %mul3A_0, %arg0 : i32
    %mul3A_1 = arith.constant 128 : i32
    %mul3A_2 = arith.muli %add3A, %mul3A_1 : i32
    %mul3A_3 = arith.constant 16 : i32
    %mul3A_4 = arith.muli %add3A, %mul3A_3 : i32
    %broadcast_in_dim3A = arith.constant 0.000000e+00 : f32
    %broadcast_in_dim3A_5 = vector.broadcast %broadcast_in_dim3A : f32 to vector<16xf32>
    %scan3A = arith.constant 0 : i32
    %scan3A_6 = arith.constant 0 : i32
    %scan3A_7 = arith.constant 8 : i32
    %scan3A_8 = arith.addi %scan3A_6, %scan3A_7 : i32
    %scan3A_9 = arith.constant 1 : i32
    scf.for %scan3A_17 = %scan3A_6 to %scan3A_8 step %scan3A_9  : i32 {
      %scan3A_18 = arith.constant 0 : i32
      %scan3A_19 = arith.constant 128 : i32
      %scan3A_20 = arith.addi %scan3A_18, %scan3A_19 : i32
      %scan3A_21 = arith.constant 1 : i32
      scf.for %scan3A_23 = %scan3A_18 to %scan3A_20 step %scan3A_21  : i32 {
        %mul3A_24 = arith.constant 16 : i32
        %mul3A_25 = arith.muli %scan3A_23, %mul3A_24 : i32
        %swap3A = arith.index_cast %scan3A_17 : i32 to index
        %swap3A_26 = arith.index_cast %mul3A_25 : i32 to index
        %swap3A_27 = tpu.vector_load %arg5[%swap3A, %swap3A_26] {strides = array<i32>} : memref<8x2048xf32, #tpu.memory_space<vmem>>, vector<16xf32>,
        tpu.vector_store %arg5[%swap3A, %swap3A_26], %broadcast_in_dim3A_5 {strides = array<i32>} : memref<8x2048xf32, #tpu.memory_space<vmem>>, vector<16xf32>,
      }
      %scan3A_22 = arith.constant 128 : i32
    }
    %scan3A_10 = arith.constant 8 : i32
    "tpu.region"() ({
      %run_scoped3A = tpu.sem_alloc : memref<!tpu.dma_semaphore, #tpu.memory_space<semaphore_mem>>
      %dma_start3A = arith.constant 0 : i32
      %dma_start3A_17 = tpu.memref_slice %arg2[%mul3A_2, %dma_start3A] : memref<4096x32xi32, #tpu.memory_space<hbm>> -> memref<128x32xi32, #tpu.memory_space<hbm>>
      %dma_start3A_18 = arith.constant 0 : i32
      %dma_start3A_19 = tpu.memref_slice %arg2[%mul3A_2, %dma_start3A_18] : memref<4096x32xi32, #tpu.memory_space<hbm>> -> memref<128x32xi32, #tpu.memory_space<hbm>>
      tpu.enqueue_dma source(%dma_start3A_19 : memref<128x32xi32, #tpu.memory_space<hbm>>) target(%arg4 : memref<128x32xi32, #tpu.memory_space<vmem>>) target_semaphore(%run_scoped3A : memref<!tpu.dma_semaphore, #tpu.memory_space<semaphore_mem>>)
      %dma_wait3A = arith.constant 0 : i32
      %dma_wait3A_20 = tpu.memref_slice %arg2[%mul3A_2, %dma_wait3A] : memref<4096x32xi32, #tpu.memory_space<hbm>> -> memref<128x32xi32, #tpu.memory_space<hbm>>
      %dma_wait3A_21 = arith.constant 0 : i32
      %dma_wait3A_22 = tpu.memref_slice %arg2[%mul3A_2, %dma_wait3A_21] : memref<4096x32xi32, #tpu.memory_space<hbm>> -> memref<128x32xi32, #tpu.memory_space<hbm>>
      tpu.wait_dma2 semaphore(%run_scoped3A : memref<!tpu.dma_semaphore, #tpu.memory_space<semaphore_mem>>) src(%dma_wait3A_22 : memref<128x32xi32, #tpu.memory_space<hbm>>) dst(%arg4 : memref<128x32xi32, #tpu.memory_space<vmem>>)
      tpu.yield
    }) : () -> ()
    %scan3A_11 = arith.constant 0 : i32
    %scan3A_12 = arith.constant 0 : i32
    %scan3A_13 = arith.constant 16 : i32
    %scan3A_14 = arith.addi %scan3A_12, %scan3A_13 : i32
    %scan3A_15 = arith.constant 1 : i32
    scf.for %scan3A_17 = %scan3A_12 to %scan3A_14 step %scan3A_15  : i32 {
      %broadcast_in_dim3A_18 = arith.constant 0 : i32
      %broadcast_in_dim3A_19 = vector.broadcast %broadcast_in_dim3A_18 : i32 to vector<16xi32>
      %mul3A_20 = arith.constant 8 : i32
      %mul3A_21 = arith.muli %scan3A_17, %mul3A_20 : i32
      %add3A_22 = arith.constant 0 : i32
      %add3A_23 = arith.addi %mul3A_21, %add3A_22 : i32
      %get3A = arith.index_cast %add3A_23 : i32 to index
      %get3A_24 = arith.constant 0 : index
      %get3A_25 = tpu.vector_load %arg4[%get3A, %get3A_24] {strides = array<i32>} : memref<128x32xi32, #tpu.memory_space<vmem>>, vector<16xi32>,
      %and3A = arith.constant 8191 : i32
      %and3A_26 = vector.broadcast %and3A : i32 to vector<16xi32>
      %and3A_27 = arith.andi %get3A_25, %and3A_26 : vector<16xi32>
      %shift_right_arithmetic3A = arith.constant 13 : i32
      %shift_right_arithmetic3A_28 = vector.broadcast %shift_right_arithmetic3A : i32 to vector<16xi32>
      %shift_right_arithmetic3A_29 = arith.shrsi %get3A_25, %shift_right_arithmetic3A_28 : vector<16xi32>
      %shift_left3A = arith.constant 1 : i32
      %shift_left3A_30 = vector.broadcast %shift_left3A : i32 to vector<16xi32>
      %shift_left3A_31 = arith.shli %shift_right_arithmetic3A_29, %shift_left3A_30 : vector<16xi32>
      %sub3A = arith.constant 1 : i32
      %sub3A_32 = vector.broadcast %sub3A : i32 to vector<16xi32>
      %sub3A_33 = arith.subi %sub3A_32, %shift_left3A_31 : vector<16xi32>
      %convert_element_type3A = arith.sitofp %sub3A_33 : vector<16xi32> to vector<16xf32>
      %and3A_34 = arith.constant 15 : i32
      %and3A_35 = vector.broadcast %and3A_34 : i32 to vector<16xi32>
      %and3A_36 = arith.andi %and3A_27, %and3A_35 : vector<16xi32>
      %shift_left3A_37 = arith.constant 7 : i32
      %shift_left3A_38 = vector.broadcast %shift_left3A_37 : i32 to vector<16xi32>
      %shift_left3A_39 = arith.shli %and3A_36, %shift_left3A_38 : vector<16xi32>
      %shift_right_arithmetic3A_40 = arith.constant 4 : i32
      %shift_right_arithmetic3A_41 = vector.broadcast %shift_right_arithmetic3A_40 : i32 to vector<16xi32>
      %shift_right_arithmetic3A_42 = arith.shrsi %and3A_27, %shift_right_arithmetic3A_41 : vector<16xi32>
      %or3A = arith.ori %shift_left3A_39, %shift_right_arithmetic3A_42 : vector<16xi32>
      tpu.vector_store_idx %arg5[%broadcast_in_dim3A_19, %or3A], %convert_element_type3A {add = true} : memref<8x2048xf32, #tpu.memory_space<vmem>>[vector<16xi32>, vector<16xi32>], vector<16xf32>,
      %mul3A_43 = arith.constant 8 : i32
      %mul3A_44 = arith.muli %scan3A_17, %mul3A_43 : i32
      %add3A_45 = arith.constant 0 : i32
      %add3A_46 = arith.addi %mul3A_44, %add3A_45 : i32
      %get3A_47 = arith.index_cast %add3A_46 : i32 to index
      %get3A_48 = arith.constant 16 : index
      %get3A_49 = tpu.vector_load %arg4[%get3A_47, %get3A_48] {strides = array<i32>} : memref<128x32xi32, #tpu.memory_space<vmem>>, vector<16xi32>,
      %and3A_50 = arith.constant 8191 : i32
      %and3A_51 = vector.broadcast %and3A_50 : i32 to vector<16xi32>
      %and3A_52 = arith.andi %get3A_49, %and3A_51 : vector<16xi32>
      %shift_right_arithmetic3A_53 = arith.constant 13 : i32
      %shift_right_arithmetic3A_54 = vector.broadcast %shift_right_arithmetic3A_53 : i32 to vector<16xi32>
      %shift_right_arithmetic3A_55 = arith.shrsi %get3A_49, %shift_right_arithmetic3A_54 : vector<16xi32>
      %shift_left3A_56 = arith.constant 1 : i32
      %shift_left3A_57 = vector.broadcast %shift_left3A_56 : i32 to vector<16xi32>
      %shift_left3A_58 = arith.shli %shift_right_arithmetic3A_55, %shift_left3A_57 : vector<16xi32>
      %sub3A_59 = arith.constant 1 : i32
      %sub3A_60 = vector.broadcast %sub3A_59 : i32 to vector<16xi32>
      %sub3A_61 = arith.subi %sub3A_60, %shift_left3A_58 : vector<16xi32>
      %convert_element_type3A_62 = arith.sitofp %sub3A_61 : vector<16xi32> to vector<16xf32>
      %and3A_63 = arith.constant 15 : i32
      %and3A_64 = vector.broadcast %and3A_63 : i32 to vector<16xi32>
      %and3A_65 = arith.andi %and3A_52, %and3A_64 : vector<16xi32>
      %shift_left3A_66 = arith.constant 7 : i32
      %shift_left3A_67 = vector.broadcast %shift_left3A_66 : i32 to vector<16xi32>
      %shift_left3A_68 = arith.shli %and3A_65, %shift_left3A_67 : vector<16xi32>
      %shift_right_arithmetic3A_69 = arith.constant 4 : i32
      %shift_right_arithmetic3A_70 = vector.broadcast %shift_right_arithmetic3A_69 : i32 to vector<16xi32>
      %shift_right_arithmetic3A_71 = arith.shrsi %and3A_52, %shift_right_arithmetic3A_70 : vector<16xi32>
      %or3A_72 = arith.ori %shift_left3A_68, %shift_right_arithmetic3A_71 : vector<16xi32>
      tpu.vector_store_idx %arg5[%broadcast_in_dim3A_19, %or3A_72], %convert_element_type3A_62 {add = true} : memref<8x2048xf32, #tpu.memory_space<vmem>>[vector<16xi32>, vector<16xi32>], vector<16xf32>,
      %broadcast_in_dim3A_73 = arith.constant 1 : i32
      %broadcast_in_dim3A_74 = vector.broadcast %broadcast_in_dim3A_73 : i32 to vector<16xi32>
      %mul3A_75 = arith.constant 8 : i32
      %mul3A_76 = arith.muli %scan3A_17, %mul3A_75 : i32
      %add3A_77 = arith.constant 1 : i32
      %add3A_78 = arith.addi %mul3A_76, %add3A_77 : i32
      %get3A_79 = arith.index_cast %add3A_78 : i32 to index
      %get3A_80 = arith.constant 0 : index
      %get3A_81 = tpu.vector_load %arg4[%get3A_79, %get3A_80] {strides = array<i32>} : memref<128x32xi32, #tpu.memory_space<vmem>>, vector<16xi32>,
      %and3A_82 = arith.constant 8191 : i32
      %and3A_83 = vector.broadcast %and3A_82 : i32 to vector<16xi32>
      %and3A_84 = arith.andi %get3A_81, %and3A_83 : vector<16xi32>
      %shift_right_arithmetic3A_85 = arith.constant 13 : i32
      %shift_right_arithmetic3A_86 = vector.broadcast %shift_right_arithmetic3A_85 : i32 to vector<16xi32>
      %shift_right_arithmetic3A_87 = arith.shrsi %get3A_81, %shift_right_arithmetic3A_86 : vector<16xi32>
      %shift_left3A_88 = arith.constant 1 : i32
      %shift_left3A_89 = vector.broadcast %shift_left3A_88 : i32 to vector<16xi32>
      %shift_left3A_90 = arith.shli %shift_right_arithmetic3A_87, %shift_left3A_89 : vector<16xi32>
      %sub3A_91 = arith.constant 1 : i32
      %sub3A_92 = vector.broadcast %sub3A_91 : i32 to vector<16xi32>
      %sub3A_93 = arith.subi %sub3A_92, %shift_left3A_90 : vector<16xi32>
      %convert_element_type3A_94 = arith.sitofp %sub3A_93 : vector<16xi32> to vector<16xf32>
      %and3A_95 = arith.constant 15 : i32
      %and3A_96 = vector.broadcast %and3A_95 : i32 to vector<16xi32>
      %and3A_97 = arith.andi %and3A_84, %and3A_96 : vector<16xi32>
      %shift_left3A_98 = arith.constant 7 : i32
      %shift_left3A_99 = vector.broadcast %shift_left3A_98 : i32 to vector<16xi32>
      %shift_left3A_100 = arith.shli %and3A_97, %shift_left3A_99 : vector<16xi32>
      %shift_right_arithmetic3A_101 = arith.constant 4 : i32
      %shift_right_arithmetic3A_102 = vector.broadcast %shift_right_arithmetic3A_101 : i32 to vector<16xi32>
      %shift_right_arithmetic3A_103 = arith.shrsi %and3A_84, %shift_right_arithmetic3A_102 : vector<16xi32>
      %or3A_104 = arith.ori %shift_left3A_100, %shift_right_arithmetic3A_103 : vector<16xi32>
      tpu.vector_store_idx %arg5[%broadcast_in_dim3A_74, %or3A_104], %convert_element_type3A_94 {add = true} : memref<8x2048xf32, #tpu.memory_space<vmem>>[vector<16xi32>, vector<16xi32>], vector<16xf32>,
      %mul3A_105 = arith.constant 8 : i32
      %mul3A_106 = arith.muli %scan3A_17, %mul3A_105 : i32
      %add3A_107 = arith.constant 1 : i32
      %add3A_108 = arith.addi %mul3A_106, %add3A_107 : i32
      %get3A_109 = arith.index_cast %add3A_108 : i32 to index
      %get3A_110 = arith.constant 16 : index
      %get3A_111 = tpu.vector_load %arg4[%get3A_109, %get3A_110] {strides = array<i32>} : memref<128x32xi32, #tpu.memory_space<vmem>>, vector<16xi32>,
      %and3A_112 = arith.constant 8191 : i32
      %and3A_113 = vector.broadcast %and3A_112 : i32 to vector<16xi32>
      %and3A_114 = arith.andi %get3A_111, %and3A_113 : vector<16xi32>
      %shift_right_arithmetic3A_115 = arith.constant 13 : i32
      %shift_right_arithmetic3A_116 = vector.broadcast %shift_right_arithmetic3A_115 : i32 to vector<16xi32>
      %shift_right_arithmetic3A_117 = arith.shrsi %get3A_111, %shift_right_arithmetic3A_116 : vector<16xi32>
      %shift_left3A_118 = arith.constant 1 : i32
      %shift_left3A_119 = vector.broadcast %shift_left3A_118 : i32 to vector<16xi32>
      %shift_left3A_120 = arith.shli %shift_right_arithmetic3A_117, %shift_left3A_119 : vector<16xi32>
      %sub3A_121 = arith.constant 1 : i32
      %sub3A_122 = vector.broadcast %sub3A_121 : i32 to vector<16xi32>
      %sub3A_123 = arith.subi %sub3A_122, %shift_left3A_120 : vector<16xi32>
      %convert_element_type3A_124 = arith.sitofp %sub3A_123 : vector<16xi32> to vector<16xf32>
      %and3A_125 = arith.constant 15 : i32
      %and3A_126 = vector.broadcast %and3A_125 : i32 to vector<16xi32>
      %and3A_127 = arith.andi %and3A_114, %and3A_126 : vector<16xi32>
      %shift_left3A_128 = arith.constant 7 : i32
      %shift_left3A_129 = vector.broadcast %shift_left3A_128 : i32 to vector<16xi32>
      %shift_left3A_130 = arith.shli %and3A_127, %shift_left3A_129 : vector<16xi32>
      %shift_right_arithmetic3A_131 = arith.constant 4 : i32
      %shift_right_arithmetic3A_132 = vector.broadcast %shift_right_arithmetic3A_131 : i32 to vector<16xi32>
      %shift_right_arithmetic3A_133 = arith.shrsi %and3A_114, %shift_right_arithmetic3A_132 : vector<16xi32>
      %or3A_134 = arith.ori %shift_left3A_130, %shift_right_arithmetic3A_133 : vector<16xi32>
      tpu.vector_store_idx %arg5[%broadcast_in_dim3A_74, %or3A_134], %convert_element_type3A_124 {add = true} : memref<8x2048xf32, #tpu.memory_space<vmem>>[vector<16xi32>, vector<16xi32>], vector<16xf32>,
      %broadcast_in_dim3A_135 = arith.constant 2 : i32
      %broadcast_in_dim3A_136 = vector.broadcast %broadcast_in_dim3A_135 : i32 to vector<16xi32>
      %mul3A_137 = arith.constant 8 : i32
      %mul3A_138 = arith.muli %scan3A_17, %mul3A_137 : i32
      %add3A_139 = arith.constant 2 : i32
      %add3A_140 = arith.addi %mul3A_138, %add3A_139 : i32
      %get3A_141 = arith.index_cast %add3A_140 : i32 to index
      %get3A_142 = arith.constant 0 : index
      %get3A_143 = tpu.vector_load %arg4[%get3A_141, %get3A_142] {strides = array<i32>} : memref<128x32xi32, #tpu.memory_space<vmem>>, vector<16xi32>,
      %and3A_144 = arith.constant 8191 : i32
      %and3A_145 = vector.broadcast %and3A_144 : i32 to vector<16xi32>
      %and3A_146 = arith.andi %get3A_143, %and3A_145 : vector<16xi32>
      %shift_right_arithmetic3A_147 = arith.constant 13 : i32
      %shift_right_arithmetic3A_148 = vector.broadcast %shift_right_arithmetic3A_147 : i32 to vector<16xi32>
      %shift_right_arithmetic3A_149 = arith.shrsi %get3A_143, %shift_right_arithmetic3A_148 : vector<16xi32>
      %shift_left3A_150 = arith.constant 1 : i32
      %shift_left3A_151 = vector.broadcast %shift_left3A_150 : i32 to vector<16xi32>
      %shift_left3A_152 = arith.shli %shift_right_arithmetic3A_149, %shift_left3A_151 : vector<16xi32>
      %sub3A_153 = arith.constant 1 : i32
      %sub3A_154 = vector.broadcast %sub3A_153 : i32 to vector<16xi32>
      %sub3A_155 = arith.subi %sub3A_154, %shift_left3A_152 : vector<16xi32>
      %convert_element_type3A_156 = arith.sitofp %sub3A_155 : vector<16xi32> to vector<16xf32>
      %and3A_157 = arith.constant 15 : i32
      %and3A_158 = vector.broadcast %and3A_157 : i32 to vector<16xi32>
      %and3A_159 = arith.andi %and3A_146, %and3A_158 : vector<16xi32>
      %shift_left3A_160 = arith.constant 7 : i32
      %shift_left3A_161 = vector.broadcast %shift_left3A_160 : i32 to vector<16xi32>
      %shift_left3A_162 = arith.shli %and3A_159, %shift_left3A_161 : vector<16xi32>
      %shift_right_arithmetic3A_163 = arith.constant 4 : i32
      %shift_right_arithmetic3A_164 = vector.broadcast %shift_right_arithmetic3A_163 : i32 to vector<16xi32>
      %shift_right_arithmetic3A_165 = arith.shrsi %and3A_146, %shift_right_arithmetic3A_164 : vector<16xi32>
      %or3A_166 = arith.ori %shift_left3A_162, %shift_right_arithmetic3A_165 : vector<16xi32>
      tpu.vector_store_idx %arg5[%broadcast_in_dim3A_136, %or3A_166], %convert_element_type3A_156 {add = true} : memref<8x2048xf32, #tpu.memory_space<vmem>>[vector<16xi32>, vector<16xi32>], vector<16xf32>,
      %mul3A_167 = arith.constant 8 : i32
      %mul3A_168 = arith.muli %scan3A_17, %mul3A_167 : i32
      %add3A_169 = arith.constant 2 : i32
      %add3A_170 = arith.addi %mul3A_168, %add3A_169 : i32
      %get3A_171 = arith.index_cast %add3A_170 : i32 to index
      %get3A_172 = arith.constant 16 : index
      %get3A_173 = tpu.vector_load %arg4[%get3A_171, %get3A_172] {strides = array<i32>} : memref<128x32xi32, #tpu.memory_space<vmem>>, vector<16xi32>,
      %and3A_174 = arith.constant 8191 : i32
      %and3A_175 = vector.broadcast %and3A_174 : i32 to vector<16xi32>
      %and3A_176 = arith.andi %get3A_173, %and3A_175 : vector<16xi32>
      %shift_right_arithmetic3A_177 = arith.constant 13 : i32
      %shift_right_arithmetic3A_178 = vector.broadcast %shift_right_arithmetic3A_177 : i32 to vector<16xi32>
      %shift_right_arithmetic3A_179 = arith.shrsi %get3A_173, %shift_right_arithmetic3A_178 : vector<16xi32>
      %shift_left3A_180 = arith.constant 1 : i32
      %shift_left3A_181 = vector.broadcast %shift_left3A_180 : i32 to vector<16xi32>
      %shift_left3A_182 = arith.shli %shift_right_arithmetic3A_179, %shift_left3A_181 : vector<16xi32>
      %sub3A_183 = arith.constant 1 : i32
      %sub3A_184 = vector.broadcast %sub3A_183 : i32 to vector<16xi32>
      %sub3A_185 = arith.subi %sub3A_184, %shift_left3A_182 : vector<16xi32>
      %convert_element_type3A_186 = arith.sitofp %sub3A_185 : vector<16xi32> to vector<16xf32>
      %and3A_187 = arith.constant 15 : i32
      %and3A_188 = vector.broadcast %and3A_187 : i32 to vector<16xi32>
      %and3A_189 = arith.andi %and3A_176, %and3A_188 : vector<16xi32>
      %shift_left3A_190 = arith.constant 7 : i32
      %shift_left3A_191 = vector.broadcast %shift_left3A_190 : i32 to vector<16xi32>
      %shift_left3A_192 = arith.shli %and3A_189, %shift_left3A_191 : vector<16xi32>
      %shift_right_arithmetic3A_193 = arith.constant 4 : i32
      %shift_right_arithmetic3A_194 = vector.broadcast %shift_right_arithmetic3A_193 : i32 to vector<16xi32>
      %shift_right_arithmetic3A_195 = arith.shrsi %and3A_176, %shift_right_arithmetic3A_194 : vector<16xi32>
      %or3A_196 = arith.ori %shift_left3A_192, %shift_right_arithmetic3A_195 : vector<16xi32>
      tpu.vector_store_idx %arg5[%broadcast_in_dim3A_136, %or3A_196], %convert_element_type3A_186 {add = true} : memref<8x2048xf32, #tpu.memory_space<vmem>>[vector<16xi32>, vector<16xi32>], vector<16xf32>,
      %broadcast_in_dim3A_197 = arith.constant 3 : i32
      %broadcast_in_dim3A_198 = vector.broadcast %broadcast_in_dim3A_197 : i32 to vector<16xi32>
      %mul3A_199 = arith.constant 8 : i32
      %mul3A_200 = arith.muli %scan3A_17, %mul3A_199 : i32
      %add3A_201 = arith.constant 3 : i32
      %add3A_202 = arith.addi %mul3A_200, %add3A_201 : i32
      %get3A_203 = arith.index_cast %add3A_202 : i32 to index
      %get3A_204 = arith.constant 0 : index
      %get3A_205 = tpu.vector_load %arg4[%get3A_203, %get3A_204] {strides = array<i32>} : memref<128x32xi32, #tpu.memory_space<vmem>>, vector<16xi32>,
      %and3A_206 = arith.constant 8191 : i32
      %and3A_207 = vector.broadcast %and3A_206 : i32 to vector<16xi32>
      %and3A_208 = arith.andi %get3A_205, %and3A_207 : vector<16xi32>
      %shift_right_arithmetic3A_209 = arith.constant 13 : i32
      %shift_right_arithmetic3A_210 = vector.broadcast %shift_right_arithmetic3A_209 : i32 to vector<16xi32>
      %shift_right_arithmetic3A_211 = arith.shrsi %get3A_205, %shift_right_arithmetic3A_210 : vector<16xi32>
      %shift_left3A_212 = arith.constant 1 : i32
      %shift_left3A_213 = vector.broadcast %shift_left3A_212 : i32 to vector<16xi32>
      %shift_left3A_214 = arith.shli %shift_right_arithmetic3A_211, %shift_left3A_213 : vector<16xi32>
      %sub3A_215 = arith.constant 1 : i32
      %sub3A_216 = vector.broadcast %sub3A_215 : i32 to vector<16xi32>
      %sub3A_217 = arith.subi %sub3A_216, %shift_left3A_214 : vector<16xi32>
      %convert_element_type3A_218 = arith.sitofp %sub3A_217 : vector<16xi32> to vector<16xf32>
      %and3A_219 = arith.constant 15 : i32
      %and3A_220 = vector.broadcast %and3A_219 : i32 to vector<16xi32>
      %and3A_221 = arith.andi %and3A_208, %and3A_220 : vector<16xi32>
      %shift_left3A_222 = arith.constant 7 : i32
      %shift_left3A_223 = vector.broadcast %shift_left3A_222 : i32 to vector<16xi32>
      %shift_left3A_224 = arith.shli %and3A_221, %shift_left3A_223 : vector<16xi32>
      %shift_right_arithmetic3A_225 = arith.constant 4 : i32
      %shift_right_arithmetic3A_226 = vector.broadcast %shift_right_arithmetic3A_225 : i32 to vector<16xi32>
      %shift_right_arithmetic3A_227 = arith.shrsi %and3A_208, %shift_right_arithmetic3A_226 : vector<16xi32>
      %or3A_228 = arith.ori %shift_left3A_224, %shift_right_arithmetic3A_227 : vector<16xi32>
      tpu.vector_store_idx %arg5[%broadcast_in_dim3A_198, %or3A_228], %convert_element_type3A_218 {add = true} : memref<8x2048xf32, #tpu.memory_space<vmem>>[vector<16xi32>, vector<16xi32>], vector<16xf32>,
      %mul3A_229 = arith.constant 8 : i32
      %mul3A_230 = arith.muli %scan3A_17, %mul3A_229 : i32
      %add3A_231 = arith.constant 3 : i32
      %add3A_232 = arith.addi %mul3A_230, %add3A_231 : i32
      %get3A_233 = arith.index_cast %add3A_232 : i32 to index
      %get3A_234 = arith.constant 16 : index
      %get3A_235 = tpu.vector_load %arg4[%get3A_233, %get3A_234] {strides = array<i32>} : memref<128x32xi32, #tpu.memory_space<vmem>>, vector<16xi32>,
      %and3A_236 = arith.constant 8191 : i32
      %and3A_237 = vector.broadcast %and3A_236 : i32 to vector<16xi32>
      %and3A_238 = arith.andi %get3A_235, %and3A_237 : vector<16xi32>
      %shift_right_arithmetic3A_239 = arith.constant 13 : i32
      %shift_right_arithmetic3A_240 = vector.broadcast %shift_right_arithmetic3A_239 : i32 to vector<16xi32>
      %shift_right_arithmetic3A_241 = arith.shrsi %get3A_235, %shift_right_arithmetic3A_240 : vector<16xi32>
      %shift_left3A_242 = arith.constant 1 : i32
      %shift_left3A_243 = vector.broadcast %shift_left3A_242 : i32 to vector<16xi32>
      %shift_left3A_244 = arith.shli %shift_right_arithmetic3A_241, %shift_left3A_243 : vector<16xi32>
      %sub3A_245 = arith.constant 1 : i32
      %sub3A_246 = vector.broadcast %sub3A_245 : i32 to vector<16xi32>
      %sub3A_247 = arith.subi %sub3A_246, %shift_left3A_244 : vector<16xi32>
      %convert_element_type3A_248 = arith.sitofp %sub3A_247 : vector<16xi32> to vector<16xf32>
      %and3A_249 = arith.constant 15 : i32
      %and3A_250 = vector.broadcast %and3A_249 : i32 to vector<16xi32>
      %and3A_251 = arith.andi %and3A_238, %and3A_250 : vector<16xi32>
      %shift_left3A_252 = arith.constant 7 : i32
      %shift_left3A_253 = vector.broadcast %shift_left3A_252 : i32 to vector<16xi32>
      %shift_left3A_254 = arith.shli %and3A_251, %shift_left3A_253 : vector<16xi32>
      %shift_right_arithmetic3A_255 = arith.constant 4 : i32
      %shift_right_arithmetic3A_256 = vector.broadcast %shift_right_arithmetic3A_255 : i32 to vector<16xi32>
      %shift_right_arithmetic3A_257 = arith.shrsi %and3A_238, %shift_right_arithmetic3A_256 : vector<16xi32>
      %or3A_258 = arith.ori %shift_left3A_254, %shift_right_arithmetic3A_257 : vector<16xi32>
      tpu.vector_store_idx %arg5[%broadcast_in_dim3A_198, %or3A_258], %convert_element_type3A_248 {add = true} : memref<8x2048xf32, #tpu.memory_space<vmem>>[vector<16xi32>, vector<16xi32>], vector<16xf32>,
      %broadcast_in_dim3A_259 = arith.constant 4 : i32
      %broadcast_in_dim3A_260 = vector.broadcast %broadcast_in_dim3A_259 : i32 to vector<16xi32>
      %mul3A_261 = arith.constant 8 : i32
      %mul3A_262 = arith.muli %scan3A_17, %mul3A_261 : i32
      %add3A_263 = arith.constant 4 : i32
      %add3A_264 = arith.addi %mul3A_262, %add3A_263 : i32
      %get3A_265 = arith.index_cast %add3A_264 : i32 to index
      %get3A_266 = arith.constant 0 : index
      %get3A_267 = tpu.vector_load %arg4[%get3A_265, %get3A_266] {strides = array<i32>} : memref<128x32xi32, #tpu.memory_space<vmem>>, vector<16xi32>,
      %and3A_268 = arith.constant 8191 : i32
      %and3A_269 = vector.broadcast %and3A_268 : i32 to vector<16xi32>
      %and3A_270 = arith.andi %get3A_267, %and3A_269 : vector<16xi32>
      %shift_right_arithmetic3A_271 = arith.constant 13 : i32
      %shift_right_arithmetic3A_272 = vector.broadcast %shift_right_arithmetic3A_271 : i32 to vector<16xi32>
      %shift_right_arithmetic3A_273 = arith.shrsi %get3A_267, %shift_right_arithmetic3A_272 : vector<16xi32>
      %shift_left3A_274 = arith.constant 1 : i32
      %shift_left3A_275 = vector.broadcast %shift_left3A_274 : i32 to vector<16xi32>
      %shift_left3A_276 = arith.shli %shift_right_arithmetic3A_273, %shift_left3A_275 : vector<16xi32>
      %sub3A_277 = arith.constant 1 : i32
      %sub3A_278 = vector.broadcast %sub3A_277 : i32 to vector<16xi32>
      %sub3A_279 = arith.subi %sub3A_278, %shift_left3A_276 : vector<16xi32>
      %convert_element_type3A_280 = arith.sitofp %sub3A_279 : vector<16xi32> to vector<16xf32>
      %and3A_281 = arith.constant 15 : i32
      %and3A_282 = vector.broadcast %and3A_281 : i32 to vector<16xi32>
      %and3A_283 = arith.andi %and3A_270, %and3A_282 : vector<16xi32>
      %shift_left3A_284 = arith.constant 7 : i32
      %shift_left3A_285 = vector.broadcast %shift_left3A_284 : i32 to vector<16xi32>
      %shift_left3A_286 = arith.shli %and3A_283, %shift_left3A_285 : vector<16xi32>
      %shift_right_arithmetic3A_287 = arith.constant 4 : i32
      %shift_right_arithmetic3A_288 = vector.broadcast %shift_right_arithmetic3A_287 : i32 to vector<16xi32>
      %shift_right_arithmetic3A_289 = arith.shrsi %and3A_270, %shift_right_arithmetic3A_288 : vector<16xi32>
      %or3A_290 = arith.ori %shift_left3A_286, %shift_right_arithmetic3A_289 : vector<16xi32>
      tpu.vector_store_idx %arg5[%broadcast_in_dim3A_260, %or3A_290], %convert_element_type3A_280 {add = true} : memref<8x2048xf32, #tpu.memory_space<vmem>>[vector<16xi32>, vector<16xi32>], vector<16xf32>,
      %mul3A_291 = arith.constant 8 : i32
      %mul3A_292 = arith.muli %scan3A_17, %mul3A_291 : i32
      %add3A_293 = arith.constant 4 : i32
      %add3A_294 = arith.addi %mul3A_292, %add3A_293 : i32
      %get3A_295 = arith.index_cast %add3A_294 : i32 to index
      %get3A_296 = arith.constant 16 : index
      %get3A_297 = tpu.vector_load %arg4[%get3A_295, %get3A_296] {strides = array<i32>} : memref<128x32xi32, #tpu.memory_space<vmem>>, vector<16xi32>,
      %and3A_298 = arith.constant 8191 : i32
      %and3A_299 = vector.broadcast %and3A_298 : i32 to vector<16xi32>
      %and3A_300 = arith.andi %get3A_297, %and3A_299 : vector<16xi32>
      %shift_right_arithmetic3A_301 = arith.constant 13 : i32
      %shift_right_arithmetic3A_302 = vector.broadcast %shift_right_arithmetic3A_301 : i32 to vector<16xi32>
      %shift_right_arithmetic3A_303 = arith.shrsi %get3A_297, %shift_right_arithmetic3A_302 : vector<16xi32>
      %shift_left3A_304 = arith.constant 1 : i32
      %shift_left3A_305 = vector.broadcast %shift_left3A_304 : i32 to vector<16xi32>
      %shift_left3A_306 = arith.shli %shift_right_arithmetic3A_303, %shift_left3A_305 : vector<16xi32>
      %sub3A_307 = arith.constant 1 : i32
      %sub3A_308 = vector.broadcast %sub3A_307 : i32 to vector<16xi32>
      %sub3A_309 = arith.subi %sub3A_308, %shift_left3A_306 : vector<16xi32>
      %convert_element_type3A_310 = arith.sitofp %sub3A_309 : vector<16xi32> to vector<16xf32>
      %and3A_311 = arith.constant 15 : i32
      %and3A_312 = vector.broadcast %and3A_311 : i32 to vector<16xi32>
      %and3A_313 = arith.andi %and3A_300, %and3A_312 : vector<16xi32>
      %shift_left3A_314 = arith.constant 7 : i32
      %shift_left3A_315 = vector.broadcast %shift_left3A_314 : i32 to vector<16xi32>
      %shift_left3A_316 = arith.shli %and3A_313, %shift_left3A_315 : vector<16xi32>
      %shift_right_arithmetic3A_317 = arith.constant 4 : i32
      %shift_right_arithmetic3A_318 = vector.broadcast %shift_right_arithmetic3A_317 : i32 to vector<16xi32>
      %shift_right_arithmetic3A_319 = arith.shrsi %and3A_300, %shift_right_arithmetic3A_318 : vector<16xi32>
      %or3A_320 = arith.ori %shift_left3A_316, %shift_right_arithmetic3A_319 : vector<16xi32>
      tpu.vector_store_idx %arg5[%broadcast_in_dim3A_260, %or3A_320], %convert_element_type3A_310 {add = true} : memref<8x2048xf32, #tpu.memory_space<vmem>>[vector<16xi32>, vector<16xi32>], vector<16xf32>,
      %broadcast_in_dim3A_321 = arith.constant 5 : i32
      %broadcast_in_dim3A_322 = vector.broadcast %broadcast_in_dim3A_321 : i32 to vector<16xi32>
      %mul3A_323 = arith.constant 8 : i32
      %mul3A_324 = arith.muli %scan3A_17, %mul3A_323 : i32
      %add3A_325 = arith.constant 5 : i32
      %add3A_326 = arith.addi %mul3A_324, %add3A_325 : i32
      %get3A_327 = arith.index_cast %add3A_326 : i32 to index
      %get3A_328 = arith.constant 0 : index
      %get3A_329 = tpu.vector_load %arg4[%get3A_327, %get3A_328] {strides = array<i32>} : memref<128x32xi32, #tpu.memory_space<vmem>>, vector<16xi32>,
      %and3A_330 = arith.constant 8191 : i32
      %and3A_331 = vector.broadcast %and3A_330 : i32 to vector<16xi32>
      %and3A_332 = arith.andi %get3A_329, %and3A_331 : vector<16xi32>
      %shift_right_arithmetic3A_333 = arith.constant 13 : i32
      %shift_right_arithmetic3A_334 = vector.broadcast %shift_right_arithmetic3A_333 : i32 to vector<16xi32>
      %shift_right_arithmetic3A_335 = arith.shrsi %get3A_329, %shift_right_arithmetic3A_334 : vector<16xi32>
      %shift_left3A_336 = arith.constant 1 : i32
      %shift_left3A_337 = vector.broadcast %shift_left3A_336 : i32 to vector<16xi32>
      %shift_left3A_338 = arith.shli %shift_right_arithmetic3A_335, %shift_left3A_337 : vector<16xi32>
      %sub3A_339 = arith.constant 1 : i32
      %sub3A_340 = vector.broadcast %sub3A_339 : i32 to vector<16xi32>
      %sub3A_341 = arith.subi %sub3A_340, %shift_left3A_338 : vector<16xi32>
      %convert_element_type3A_342 = arith.sitofp %sub3A_341 : vector<16xi32> to vector<16xf32>
      %and3A_343 = arith.constant 15 : i32
      %and3A_344 = vector.broadcast %and3A_343 : i32 to vector<16xi32>
      %and3A_345 = arith.andi %and3A_332, %and3A_344 : vector<16xi32>
      %shift_left3A_346 = arith.constant 7 : i32
      %shift_left3A_347 = vector.broadcast %shift_left3A_346 : i32 to vector<16xi32>
      %shift_left3A_348 = arith.shli %and3A_345, %shift_left3A_347 : vector<16xi32>
      %shift_right_arithmetic3A_349 = arith.constant 4 : i32
      %shift_right_arithmetic3A_350 = vector.broadcast %shift_right_arithmetic3A_349 : i32 to vector<16xi32>
      %shift_right_arithmetic3A_351 = arith.shrsi %and3A_332, %shift_right_arithmetic3A_350 : vector<16xi32>
      %or3A_352 = arith.ori %shift_left3A_348, %shift_right_arithmetic3A_351 : vector<16xi32>
      tpu.vector_store_idx %arg5[%broadcast_in_dim3A_322, %or3A_352], %convert_element_type3A_342 {add = true} : memref<8x2048xf32, #tpu.memory_space<vmem>>[vector<16xi32>, vector<16xi32>], vector<16xf32>,
      %mul3A_353 = arith.constant 8 : i32
      %mul3A_354 = arith.muli %scan3A_17, %mul3A_353 : i32
      %add3A_355 = arith.constant 5 : i32
      %add3A_356 = arith.addi %mul3A_354, %add3A_355 : i32
      %get3A_357 = arith.index_cast %add3A_356 : i32 to index
      %get3A_358 = arith.constant 16 : index
      %get3A_359 = tpu.vector_load %arg4[%get3A_357, %get3A_358] {strides = array<i32>} : memref<128x32xi32, #tpu.memory_space<vmem>>, vector<16xi32>,
      %and3A_360 = arith.constant 8191 : i32
      %and3A_361 = vector.broadcast %and3A_360 : i32 to vector<16xi32>
      %and3A_362 = arith.andi %get3A_359, %and3A_361 : vector<16xi32>
      %shift_right_arithmetic3A_363 = arith.constant 13 : i32
      %shift_right_arithmetic3A_364 = vector.broadcast %shift_right_arithmetic3A_363 : i32 to vector<16xi32>
      %shift_right_arithmetic3A_365 = arith.shrsi %get3A_359, %shift_right_arithmetic3A_364 : vector<16xi32>
      %shift_left3A_366 = arith.constant 1 : i32
      %shift_left3A_367 = vector.broadcast %shift_left3A_366 : i32 to vector<16xi32>
      %shift_left3A_368 = arith.shli %shift_right_arithmetic3A_365, %shift_left3A_367 : vector<16xi32>
      %sub3A_369 = arith.constant 1 : i32
      %sub3A_370 = vector.broadcast %sub3A_369 : i32 to vector<16xi32>
      %sub3A_371 = arith.subi %sub3A_370, %shift_left3A_368 : vector<16xi32>
      %convert_element_type3A_372 = arith.sitofp %sub3A_371 : vector<16xi32> to vector<16xf32>
      %and3A_373 = arith.constant 15 : i32
      %and3A_374 = vector.broadcast %and3A_373 : i32 to vector<16xi32>
      %and3A_375 = arith.andi %and3A_362, %and3A_374 : vector<16xi32>
      %shift_left3A_376 = arith.constant 7 : i32
      %shift_left3A_377 = vector.broadcast %shift_left3A_376 : i32 to vector<16xi32>
      %shift_left3A_378 = arith.shli %and3A_375, %shift_left3A_377 : vector<16xi32>
      %shift_right_arithmetic3A_379 = arith.constant 4 : i32
      %shift_right_arithmetic3A_380 = vector.broadcast %shift_right_arithmetic3A_379 : i32 to vector<16xi32>
      %shift_right_arithmetic3A_381 = arith.shrsi %and3A_362, %shift_right_arithmetic3A_380 : vector<16xi32>
      %or3A_382 = arith.ori %shift_left3A_378, %shift_right_arithmetic3A_381 : vector<16xi32>
      tpu.vector_store_idx %arg5[%broadcast_in_dim3A_322, %or3A_382], %convert_element_type3A_372 {add = true} : memref<8x2048xf32, #tpu.memory_space<vmem>>[vector<16xi32>, vector<16xi32>], vector<16xf32>,
      %broadcast_in_dim3A_383 = arith.constant 6 : i32
      %broadcast_in_dim3A_384 = vector.broadcast %broadcast_in_dim3A_383 : i32 to vector<16xi32>
      %mul3A_385 = arith.constant 8 : i32
      %mul3A_386 = arith.muli %scan3A_17, %mul3A_385 : i32
      %add3A_387 = arith.constant 6 : i32
      %add3A_388 = arith.addi %mul3A_386, %add3A_387 : i32
      %get3A_389 = arith.index_cast %add3A_388 : i32 to index
      %get3A_390 = arith.constant 0 : index
      %get3A_391 = tpu.vector_load %arg4[%get3A_389, %get3A_390] {strides = array<i32>} : memref<128x32xi32, #tpu.memory_space<vmem>>, vector<16xi32>,
      %and3A_392 = arith.constant 8191 : i32
      %and3A_393 = vector.broadcast %and3A_392 : i32 to vector<16xi32>
      %and3A_394 = arith.andi %get3A_391, %and3A_393 : vector<16xi32>
      %shift_right_arithmetic3A_395 = arith.constant 13 : i32
      %shift_right_arithmetic3A_396 = vector.broadcast %shift_right_arithmetic3A_395 : i32 to vector<16xi32>
      %shift_right_arithmetic3A_397 = arith.shrsi %get3A_391, %shift_right_arithmetic3A_396 : vector<16xi32>
      %shift_left3A_398 = arith.constant 1 : i32
      %shift_left3A_399 = vector.broadcast %shift_left3A_398 : i32 to vector<16xi32>
      %shift_left3A_400 = arith.shli %shift_right_arithmetic3A_397, %shift_left3A_399 : vector<16xi32>
      %sub3A_401 = arith.constant 1 : i32
      %sub3A_402 = vector.broadcast %sub3A_401 : i32 to vector<16xi32>
      %sub3A_403 = arith.subi %sub3A_402, %shift_left3A_400 : vector<16xi32>
      %convert_element_type3A_404 = arith.sitofp %sub3A_403 : vector<16xi32> to vector<16xf32>
      %and3A_405 = arith.constant 15 : i32
      %and3A_406 = vector.broadcast %and3A_405 : i32 to vector<16xi32>
      %and3A_407 = arith.andi %and3A_394, %and3A_406 : vector<16xi32>
      %shift_left3A_408 = arith.constant 7 : i32
      %shift_left3A_409 = vector.broadcast %shift_left3A_408 : i32 to vector<16xi32>
      %shift_left3A_410 = arith.shli %and3A_407, %shift_left3A_409 : vector<16xi32>
      %shift_right_arithmetic3A_411 = arith.constant 4 : i32
      %shift_right_arithmetic3A_412 = vector.broadcast %shift_right_arithmetic3A_411 : i32 to vector<16xi32>
      %shift_right_arithmetic3A_413 = arith.shrsi %and3A_394, %shift_right_arithmetic3A_412 : vector<16xi32>
      %or3A_414 = arith.ori %shift_left3A_410, %shift_right_arithmetic3A_413 : vector<16xi32>
      tpu.vector_store_idx %arg5[%broadcast_in_dim3A_384, %or3A_414], %convert_element_type3A_404 {add = true} : memref<8x2048xf32, #tpu.memory_space<vmem>>[vector<16xi32>, vector<16xi32>], vector<16xf32>,
      %mul3A_415 = arith.constant 8 : i32
      %mul3A_416 = arith.muli %scan3A_17, %mul3A_415 : i32
      %add3A_417 = arith.constant 6 : i32
      %add3A_418 = arith.addi %mul3A_416, %add3A_417 : i32
      %get3A_419 = arith.index_cast %add3A_418 : i32 to index
      %get3A_420 = arith.constant 16 : index
      %get3A_421 = tpu.vector_load %arg4[%get3A_419, %get3A_420] {strides = array<i32>} : memref<128x32xi32, #tpu.memory_space<vmem>>, vector<16xi32>,
      %and3A_422 = arith.constant 8191 : i32
      %and3A_423 = vector.broadcast %and3A_422 : i32 to vector<16xi32>
      %and3A_424 = arith.andi %get3A_421, %and3A_423 : vector<16xi32>
      %shift_right_arithmetic3A_425 = arith.constant 13 : i32
      %shift_right_arithmetic3A_426 = vector.broadcast %shift_right_arithmetic3A_425 : i32 to vector<16xi32>
      %shift_right_arithmetic3A_427 = arith.shrsi %get3A_421, %shift_right_arithmetic3A_426 : vector<16xi32>
      %shift_left3A_428 = arith.constant 1 : i32
      %shift_left3A_429 = vector.broadcast %shift_left3A_428 : i32 to vector<16xi32>
      %shift_left3A_430 = arith.shli %shift_right_arithmetic3A_427, %shift_left3A_429 : vector<16xi32>
      %sub3A_431 = arith.constant 1 : i32
      %sub3A_432 = vector.broadcast %sub3A_431 : i32 to vector<16xi32>
      %sub3A_433 = arith.subi %sub3A_432, %shift_left3A_430 : vector<16xi32>
      %convert_element_type3A_434 = arith.sitofp %sub3A_433 : vector<16xi32> to vector<16xf32>
      %and3A_435 = arith.constant 15 : i32
      %and3A_436 = vector.broadcast %and3A_435 : i32 to vector<16xi32>
      %and3A_437 = arith.andi %and3A_424, %and3A_436 : vector<16xi32>
      %shift_left3A_438 = arith.constant 7 : i32
      %shift_left3A_439 = vector.broadcast %shift_left3A_438 : i32 to vector<16xi32>
      %shift_left3A_440 = arith.shli %and3A_437, %shift_left3A_439 : vector<16xi32>
      %shift_right_arithmetic3A_441 = arith.constant 4 : i32
      %shift_right_arithmetic3A_442 = vector.broadcast %shift_right_arithmetic3A_441 : i32 to vector<16xi32>
      %shift_right_arithmetic3A_443 = arith.shrsi %and3A_424, %shift_right_arithmetic3A_442 : vector<16xi32>
      %or3A_444 = arith.ori %shift_left3A_440, %shift_right_arithmetic3A_443 : vector<16xi32>
      tpu.vector_store_idx %arg5[%broadcast_in_dim3A_384, %or3A_444], %convert_element_type3A_434 {add = true} : memref<8x2048xf32, #tpu.memory_space<vmem>>[vector<16xi32>, vector<16xi32>], vector<16xf32>,
      %broadcast_in_dim3A_445 = arith.constant 7 : i32
      %broadcast_in_dim3A_446 = vector.broadcast %broadcast_in_dim3A_445 : i32 to vector<16xi32>
      %mul3A_447 = arith.constant 8 : i32
      %mul3A_448 = arith.muli %scan3A_17, %mul3A_447 : i32
      %add3A_449 = arith.constant 7 : i32
      %add3A_450 = arith.addi %mul3A_448, %add3A_449 : i32
      %get3A_451 = arith.index_cast %add3A_450 : i32 to index
      %get3A_452 = arith.constant 0 : index
      %get3A_453 = tpu.vector_load %arg4[%get3A_451, %get3A_452] {strides = array<i32>} : memref<128x32xi32, #tpu.memory_space<vmem>>, vector<16xi32>,
      %and3A_454 = arith.constant 8191 : i32
      %and3A_455 = vector.broadcast %and3A_454 : i32 to vector<16xi32>
      %and3A_456 = arith.andi %get3A_453, %and3A_455 : vector<16xi32>
      %shift_right_arithmetic3A_457 = arith.constant 13 : i32
      %shift_right_arithmetic3A_458 = vector.broadcast %shift_right_arithmetic3A_457 : i32 to vector<16xi32>
      %shift_right_arithmetic3A_459 = arith.shrsi %get3A_453, %shift_right_arithmetic3A_458 : vector<16xi32>
      %shift_left3A_460 = arith.constant 1 : i32
      %shift_left3A_461 = vector.broadcast %shift_left3A_460 : i32 to vector<16xi32>
      %shift_left3A_462 = arith.shli %shift_right_arithmetic3A_459, %shift_left3A_461 : vector<16xi32>
      %sub3A_463 = arith.constant 1 : i32
      %sub3A_464 = vector.broadcast %sub3A_463 : i32 to vector<16xi32>
      %sub3A_465 = arith.subi %sub3A_464, %shift_left3A_462 : vector<16xi32>
      %convert_element_type3A_466 = arith.sitofp %sub3A_465 : vector<16xi32> to vector<16xf32>
      %and3A_467 = arith.constant 15 : i32
      %and3A_468 = vector.broadcast %and3A_467 : i32 to vector<16xi32>
      %and3A_469 = arith.andi %and3A_456, %and3A_468 : vector<16xi32>
      %shift_left3A_470 = arith.constant 7 : i32
      %shift_left3A_471 = vector.broadcast %shift_left3A_470 : i32 to vector<16xi32>
      %shift_left3A_472 = arith.shli %and3A_469, %shift_left3A_471 : vector<16xi32>
      %shift_right_arithmetic3A_473 = arith.constant 4 : i32
      %shift_right_arithmetic3A_474 = vector.broadcast %shift_right_arithmetic3A_473 : i32 to vector<16xi32>
      %shift_right_arithmetic3A_475 = arith.shrsi %and3A_456, %shift_right_arithmetic3A_474 : vector<16xi32>
      %or3A_476 = arith.ori %shift_left3A_472, %shift_right_arithmetic3A_475 : vector<16xi32>
      tpu.vector_store_idx %arg5[%broadcast_in_dim3A_446, %or3A_476], %convert_element_type3A_466 {add = true} : memref<8x2048xf32, #tpu.memory_space<vmem>>[vector<16xi32>, vector<16xi32>], vector<16xf32>,
      %mul3A_477 = arith.constant 8 : i32
      %mul3A_478 = arith.muli %scan3A_17, %mul3A_477 : i32
      %add3A_479 = arith.constant 7 : i32
      %add3A_480 = arith.addi %mul3A_478, %add3A_479 : i32
      %get3A_481 = arith.index_cast %add3A_480 : i32 to index
      %get3A_482 = arith.constant 16 : index
      %get3A_483 = tpu.vector_load %arg4[%get3A_481, %get3A_482] {strides = array<i32>} : memref<128x32xi32, #tpu.memory_space<vmem>>, vector<16xi32>,
      %and3A_484 = arith.constant 8191 : i32
      %and3A_485 = vector.broadcast %and3A_484 : i32 to vector<16xi32>
      %and3A_486 = arith.andi %get3A_483, %and3A_485 : vector<16xi32>
      %shift_right_arithmetic3A_487 = arith.constant 13 : i32
      %shift_right_arithmetic3A_488 = vector.broadcast %shift_right_arithmetic3A_487 : i32 to vector<16xi32>
      %shift_right_arithmetic3A_489 = arith.shrsi %get3A_483, %shift_right_arithmetic3A_488 : vector<16xi32>
      %shift_left3A_490 = arith.constant 1 : i32
      %shift_left3A_491 = vector.broadcast %shift_left3A_490 : i32 to vector<16xi32>
      %shift_left3A_492 = arith.shli %shift_right_arithmetic3A_489, %shift_left3A_491 : vector<16xi32>
      %sub3A_493 = arith.constant 1 : i32
      %sub3A_494 = vector.broadcast %sub3A_493 : i32 to vector<16xi32>
      %sub3A_495 = arith.subi %sub3A_494, %shift_left3A_492 : vector<16xi32>
      %convert_element_type3A_496 = arith.sitofp %sub3A_495 : vector<16xi32> to vector<16xf32>
      %and3A_497 = arith.constant 15 : i32
      %and3A_498 = vector.broadcast %and3A_497 : i32 to vector<16xi32>
      %and3A_499 = arith.andi %and3A_486, %and3A_498 : vector<16xi32>
      %shift_left3A_500 = arith.constant 7 : i32
      %shift_left3A_501 = vector.broadcast %shift_left3A_500 : i32 to vector<16xi32>
      %shift_left3A_502 = arith.shli %and3A_499, %shift_left3A_501 : vector<16xi32>
      %shift_right_arithmetic3A_503 = arith.constant 4 : i32
      %shift_right_arithmetic3A_504 = vector.broadcast %shift_right_arithmetic3A_503 : i32 to vector<16xi32>
      %shift_right_arithmetic3A_505 = arith.shrsi %and3A_486, %shift_right_arithmetic3A_504 : vector<16xi32>
      %or3A_506 = arith.ori %shift_left3A_502, %shift_right_arithmetic3A_505 : vector<16xi32>
      tpu.vector_store_idx %arg5[%broadcast_in_dim3A_446, %or3A_506], %convert_element_type3A_496 {add = true} : memref<8x2048xf32, #tpu.memory_space<vmem>>[vector<16xi32>, vector<16xi32>], vector<16xf32>,
      %add3A_507 = arith.addi %mul3A_4, %scan3A_17 : i32
      "tpu.region"() ({
        %run_scoped3A = tpu.sem_alloc : memref<!tpu.dma_semaphore, #tpu.memory_space<semaphore_mem>>
        %dma_start3A = arith.constant 0 : i32
        %dma_start3A_508 = arith.constant 0 : i32
        %dma_start3A_509 = tpu.memref_slice %arg3[%add3A_507, %dma_start3A, %dma_start3A_508] : memref<512x8x2048xf32, #tpu.memory_space<hbm>> -> memref<1x8x2048xf32, #tpu.memory_space<hbm>>
        %dma_start3A_510 = tpu.memref_squeeze %dma_start3A_509 : memref<1x8x2048xf32, #tpu.memory_space<hbm>> -> memref<8x2048xf32, #tpu.memory_space<hbm>>
        %dma_start3A_511 = arith.constant 0 : i32
        %dma_start3A_512 = arith.constant 0 : i32
        %dma_start3A_513 = tpu.memref_slice %arg3[%add3A_507, %dma_start3A_511, %dma_start3A_512] : memref<512x8x2048xf32, #tpu.memory_space<hbm>> -> memref<1x8x2048xf32, #tpu.memory_space<hbm>>
        %dma_start3A_514 = tpu.memref_squeeze %dma_start3A_513 : memref<1x8x2048xf32, #tpu.memory_space<hbm>> -> memref<8x2048xf32, #tpu.memory_space<hbm>>
        tpu.enqueue_dma source(%arg5 : memref<8x2048xf32, #tpu.memory_space<vmem>>) target(%dma_start3A_514 : memref<8x2048xf32, #tpu.memory_space<hbm>>) target_semaphore(%run_scoped3A : memref<!tpu.dma_semaphore, #tpu.memory_space<semaphore_mem>>)
        %dma_wait3A = arith.constant 0 : i32
        %dma_wait3A_515 = arith.constant 0 : i32
        %dma_wait3A_516 = tpu.memref_slice %arg3[%add3A_507, %dma_wait3A, %dma_wait3A_515] : memref<512x8x2048xf32, #tpu.memory_space<hbm>> -> memref<1x8x2048xf32, #tpu.memory_space<hbm>>
        %dma_wait3A_517 = tpu.memref_squeeze %dma_wait3A_516 : memref<1x8x2048xf32, #tpu.memory_space<hbm>> -> memref<8x2048xf32, #tpu.memory_space<hbm>>
        %dma_wait3A_518 = arith.constant 0 : i32
        %dma_wait3A_519 = arith.constant 0 : i32
        %dma_wait3A_520 = tpu.memref_slice %arg3[%add3A_507, %dma_wait3A_518, %dma_wait3A_519] : memref<512x8x2048xf32, #tpu.memory_space<hbm>> -> memref<1x8x2048xf32, #tpu.memory_space<hbm>>
        %dma_wait3A_521 = tpu.memref_squeeze %dma_wait3A_520 : memref<1x8x2048xf32, #tpu.memory_space<hbm>> -> memref<8x2048xf32, #tpu.memory_space<hbm>>
        tpu.wait_dma2 semaphore(%run_scoped3A : memref<!tpu.dma_semaphore, #tpu.memory_space<semaphore_mem>>) src(%arg5 : memref<8x2048xf32, #tpu.memory_space<vmem>>) dst(%dma_wait3A_521 : memref<8x2048xf32, #tpu.memory_space<hbm>>)
        tpu.yield
      }) : () -> ()
      tpu.vector_store_idx %arg5[%broadcast_in_dim3A_19, %or3A], %broadcast_in_dim3A_5 : memref<8x2048xf32, #tpu.memory_space<vmem>>[vector<16xi32>, vector<16xi32>], vector<16xf32>,
      tpu.vector_store_idx %arg5[%broadcast_in_dim3A_19, %or3A_72], %broadcast_in_dim3A_5 : memref<8x2048xf32, #tpu.memory_space<vmem>>[vector<16xi32>, vector<16xi32>], vector<16xf32>,
      tpu.vector_store_idx %arg5[%broadcast_in_dim3A_74, %or3A_104], %broadcast_in_dim3A_5 : memref<8x2048xf32, #tpu.memory_space<vmem>>[vector<16xi32>, vector<16xi32>], vector<16xf32>,
      tpu.vector_store_idx %arg5[%broadcast_in_dim3A_74, %or3A_134], %broadcast_in_dim3A_5 : memref<8x2048xf32, #tpu.memory_space<vmem>>[vector<16xi32>, vector<16xi32>], vector<16xf32>,
      tpu.vector_store_idx %arg5[%broadcast_in_dim3A_136, %or3A_166], %broadcast_in_dim3A_5 : memref<8x2048xf32, #tpu.memory_space<vmem>>[vector<16xi32>, vector<16xi32>], vector<16xf32>,
      tpu.vector_store_idx %arg5[%broadcast_in_dim3A_136, %or3A_196], %broadcast_in_dim3A_5 : memref<8x2048xf32, #tpu.memory_space<vmem>>[vector<16xi32>, vector<16xi32>], vector<16xf32>,
      tpu.vector_store_idx %arg5[%broadcast_in_dim3A_198, %or3A_228], %broadcast_in_dim3A_5 : memref<8x2048xf32, #tpu.memory_space<vmem>>[vector<16xi32>, vector<16xi32>], vector<16xf32>,
      tpu.vector_store_idx %arg5[%broadcast_in_dim3A_198, %or3A_258], %broadcast_in_dim3A_5 : memref<8x2048xf32, #tpu.memory_space<vmem>>[vector<16xi32>, vector<16xi32>], vector<16xf32>,
      tpu.vector_store_idx %arg5[%broadcast_in_dim3A_260, %or3A_290], %broadcast_in_dim3A_5 : memref<8x2048xf32, #tpu.memory_space<vmem>>[vector<16xi32>, vector<16xi32>], vector<16xf32>,
      tpu.vector_store_idx %arg5[%broadcast_in_dim3A_260, %or3A_320], %broadcast_in_dim3A_5 : memref<8x2048xf32, #tpu.memory_space<vmem>>[vector<16xi32>, vector<16xi32>], vector<16xf32>,
      tpu.vector_store_idx %arg5[%broadcast_in_dim3A_322, %or3A_352], %broadcast_in_dim3A_5 : memref<8x2048xf32, #tpu.memory_space<vmem>>[vector<16xi32>, vector<16xi32>], vector<16xf32>,
      tpu.vector_store_idx %arg5[%broadcast_in_dim3A_322, %or3A_382], %broadcast_in_dim3A_5 : memref<8x2048xf32, #tpu.memory_space<vmem>>[vector<16xi32>, vector<16xi32>], vector<16xf32>,
      tpu.vector_store_idx %arg5[%broadcast_in_dim3A_384, %or3A_414], %broadcast_in_dim3A_5 : memref<8x2048xf32, #tpu.memory_space<vmem>>[vector<16xi32>, vector<16xi32>], vector<16xf32>,
      tpu.vector_store_idx %arg5[%broadcast_in_dim3A_384, %or3A_444], %broadcast_in_dim3A_5 : memref<8x2048xf32, #tpu.memory_space<vmem>>[vector<16xi32>, vector<16xi32>], vector<16xf32>,
      tpu.vector_store_idx %arg5[%broadcast_in_dim3A_446, %or3A_476], %broadcast_in_dim3A_5 : memref<8x2048xf32, #tpu.memory_space<vmem>>[vector<16xi32>, vector<16xi32>], vector<16xf32>,
      tpu.vector_store_idx %arg5[%broadcast_in_dim3A_446, %or3A_506], %broadcast_in_dim3A_5 : memref<8x2048xf32, #tpu.memory_space<vmem>>[vector<16xi32>, vector<16xi32>], vector<16xf32>,
    }
    %scan3A_16 = arith.constant 16 : i32
    return
  }
}

module attributes {stable_mosaic.version = 14 : i64} {
  func.func @_encode_body(%arg0: memref<512x128xf32, #tpu.memory_space<vmem>>, %arg1: memref<512x2048xbf16, #tpu.memory_space<vmem>>) attributes {dimension_semantics = [], scalar_prefetch = 0 : i64, scratch_operands = 0 : i64, tpu.core_type = #tpu.core_type<tc>} {
    %get3A = arith.constant 0 : index
    %get3A_0 = arith.constant 0 : index
    %get3A_1 = vector.load %arg0[%get3A, %get3A_0] : memref<512x128xf32, #tpu.memory_space<vmem>>, vector<512x128xf32>
    %ge3A = arith.constant 3.125000e-02 : f32
    %ge3A_2 = vector.broadcast %ge3A : f32 to vector<512x128xf32>
    %ge3A_3 = arith.cmpf oge, %get3A_1, %ge3A_2 : vector<512x128xf32>
    %convert_element_type3A = arith.extui %ge3A_3 : vector<512x128xi1> to vector<512x128xi32>
    %convert_element_type3A_4 = arith.sitofp %convert_element_type3A : vector<512x128xi32> to vector<512x128xf32>
    %convert_element_type3A_5 = arith.truncf %convert_element_type3A_4 : vector<512x128xf32> to vector<512x128xbf16>
    %swap3A = arith.constant 0 : index
    %swap3A_6 = arith.constant 0 : index
    %swap3A_7 = vector.load %arg1[%swap3A, %swap3A_6] : memref<512x2048xbf16, #tpu.memory_space<vmem>>, vector<512x128xbf16>
    tpu.vector_store %arg1[%swap3A, %swap3A_6], %convert_element_type3A_5 {strides = array<i32>} : memref<512x2048xbf16, #tpu.memory_space<vmem>>, vector<512x128xbf16>,
    %ge3A_8 = arith.constant 9.375000e-02 : f32
    %ge3A_9 = vector.broadcast %ge3A_8 : f32 to vector<512x128xf32>
    %ge3A_10 = arith.cmpf oge, %get3A_1, %ge3A_9 : vector<512x128xf32>
    %convert_element_type3A_11 = arith.extui %ge3A_10 : vector<512x128xi1> to vector<512x128xi32>
    %convert_element_type3A_12 = arith.sitofp %convert_element_type3A_11 : vector<512x128xi32> to vector<512x128xf32>
    %convert_element_type3A_13 = arith.truncf %convert_element_type3A_12 : vector<512x128xf32> to vector<512x128xbf16>
    %swap3A_14 = arith.constant 0 : index
    %swap3A_15 = arith.constant 128 : index
    %swap3A_16 = vector.load %arg1[%swap3A_14, %swap3A_15] : memref<512x2048xbf16, #tpu.memory_space<vmem>>, vector<512x128xbf16>
    tpu.vector_store %arg1[%swap3A_14, %swap3A_15], %convert_element_type3A_13 {strides = array<i32>} : memref<512x2048xbf16, #tpu.memory_space<vmem>>, vector<512x128xbf16>,
    %ge3A_17 = arith.constant 1.562500e-01 : f32
    %ge3A_18 = vector.broadcast %ge3A_17 : f32 to vector<512x128xf32>
    %ge3A_19 = arith.cmpf oge, %get3A_1, %ge3A_18 : vector<512x128xf32>
    %convert_element_type3A_20 = arith.extui %ge3A_19 : vector<512x128xi1> to vector<512x128xi32>
    %convert_element_type3A_21 = arith.sitofp %convert_element_type3A_20 : vector<512x128xi32> to vector<512x128xf32>
    %convert_element_type3A_22 = arith.truncf %convert_element_type3A_21 : vector<512x128xf32> to vector<512x128xbf16>
    %swap3A_23 = arith.constant 0 : index
    %swap3A_24 = arith.constant 256 : index
    %swap3A_25 = vector.load %arg1[%swap3A_23, %swap3A_24] : memref<512x2048xbf16, #tpu.memory_space<vmem>>, vector<512x128xbf16>
    tpu.vector_store %arg1[%swap3A_23, %swap3A_24], %convert_element_type3A_22 {strides = array<i32>} : memref<512x2048xbf16, #tpu.memory_space<vmem>>, vector<512x128xbf16>,
    %ge3A_26 = arith.constant 2.187500e-01 : f32
    %ge3A_27 = vector.broadcast %ge3A_26 : f32 to vector<512x128xf32>
    %ge3A_28 = arith.cmpf oge, %get3A_1, %ge3A_27 : vector<512x128xf32>
    %convert_element_type3A_29 = arith.extui %ge3A_28 : vector<512x128xi1> to vector<512x128xi32>
    %convert_element_type3A_30 = arith.sitofp %convert_element_type3A_29 : vector<512x128xi32> to vector<512x128xf32>
    %convert_element_type3A_31 = arith.truncf %convert_element_type3A_30 : vector<512x128xf32> to vector<512x128xbf16>
    %swap3A_32 = arith.constant 0 : index
    %swap3A_33 = arith.constant 384 : index
    %swap3A_34 = vector.load %arg1[%swap3A_32, %swap3A_33] : memref<512x2048xbf16, #tpu.memory_space<vmem>>, vector<512x128xbf16>
    tpu.vector_store %arg1[%swap3A_32, %swap3A_33], %convert_element_type3A_31 {strides = array<i32>} : memref<512x2048xbf16, #tpu.memory_space<vmem>>, vector<512x128xbf16>,
    %ge3A_35 = arith.constant 2.812500e-01 : f32
    %ge3A_36 = vector.broadcast %ge3A_35 : f32 to vector<512x128xf32>
    %ge3A_37 = arith.cmpf oge, %get3A_1, %ge3A_36 : vector<512x128xf32>
    %convert_element_type3A_38 = arith.extui %ge3A_37 : vector<512x128xi1> to vector<512x128xi32>
    %convert_element_type3A_39 = arith.sitofp %convert_element_type3A_38 : vector<512x128xi32> to vector<512x128xf32>
    %convert_element_type3A_40 = arith.truncf %convert_element_type3A_39 : vector<512x128xf32> to vector<512x128xbf16>
    %swap3A_41 = arith.constant 0 : index
    %swap3A_42 = arith.constant 512 : index
    %swap3A_43 = vector.load %arg1[%swap3A_41, %swap3A_42] : memref<512x2048xbf16, #tpu.memory_space<vmem>>, vector<512x128xbf16>
    tpu.vector_store %arg1[%swap3A_41, %swap3A_42], %convert_element_type3A_40 {strides = array<i32>} : memref<512x2048xbf16, #tpu.memory_space<vmem>>, vector<512x128xbf16>,
    %ge3A_44 = arith.constant 3.437500e-01 : f32
    %ge3A_45 = vector.broadcast %ge3A_44 : f32 to vector<512x128xf32>
    %ge3A_46 = arith.cmpf oge, %get3A_1, %ge3A_45 : vector<512x128xf32>
    %convert_element_type3A_47 = arith.extui %ge3A_46 : vector<512x128xi1> to vector<512x128xi32>
    %convert_element_type3A_48 = arith.sitofp %convert_element_type3A_47 : vector<512x128xi32> to vector<512x128xf32>
    %convert_element_type3A_49 = arith.truncf %convert_element_type3A_48 : vector<512x128xf32> to vector<512x128xbf16>
    %swap3A_50 = arith.constant 0 : index
    %swap3A_51 = arith.constant 640 : index
    %swap3A_52 = vector.load %arg1[%swap3A_50, %swap3A_51] : memref<512x2048xbf16, #tpu.memory_space<vmem>>, vector<512x128xbf16>
    tpu.vector_store %arg1[%swap3A_50, %swap3A_51], %convert_element_type3A_49 {strides = array<i32>} : memref<512x2048xbf16, #tpu.memory_space<vmem>>, vector<512x128xbf16>,
    %ge3A_53 = arith.constant 4.062500e-01 : f32
    %ge3A_54 = vector.broadcast %ge3A_53 : f32 to vector<512x128xf32>
    %ge3A_55 = arith.cmpf oge, %get3A_1, %ge3A_54 : vector<512x128xf32>
    %convert_element_type3A_56 = arith.extui %ge3A_55 : vector<512x128xi1> to vector<512x128xi32>
    %convert_element_type3A_57 = arith.sitofp %convert_element_type3A_56 : vector<512x128xi32> to vector<512x128xf32>
    %convert_element_type3A_58 = arith.truncf %convert_element_type3A_57 : vector<512x128xf32> to vector<512x128xbf16>
    %swap3A_59 = arith.constant 0 : index
    %swap3A_60 = arith.constant 768 : index
    %swap3A_61 = vector.load %arg1[%swap3A_59, %swap3A_60] : memref<512x2048xbf16, #tpu.memory_space<vmem>>, vector<512x128xbf16>
    tpu.vector_store %arg1[%swap3A_59, %swap3A_60], %convert_element_type3A_58 {strides = array<i32>} : memref<512x2048xbf16, #tpu.memory_space<vmem>>, vector<512x128xbf16>,
    %ge3A_62 = arith.constant 4.687500e-01 : f32
    %ge3A_63 = vector.broadcast %ge3A_62 : f32 to vector<512x128xf32>
    %ge3A_64 = arith.cmpf oge, %get3A_1, %ge3A_63 : vector<512x128xf32>
    %convert_element_type3A_65 = arith.extui %ge3A_64 : vector<512x128xi1> to vector<512x128xi32>
    %convert_element_type3A_66 = arith.sitofp %convert_element_type3A_65 : vector<512x128xi32> to vector<512x128xf32>
    %convert_element_type3A_67 = arith.truncf %convert_element_type3A_66 : vector<512x128xf32> to vector<512x128xbf16>
    %swap3A_68 = arith.constant 0 : index
    %swap3A_69 = arith.constant 896 : index
    %swap3A_70 = vector.load %arg1[%swap3A_68, %swap3A_69] : memref<512x2048xbf16, #tpu.memory_space<vmem>>, vector<512x128xbf16>
    tpu.vector_store %arg1[%swap3A_68, %swap3A_69], %convert_element_type3A_67 {strides = array<i32>} : memref<512x2048xbf16, #tpu.memory_space<vmem>>, vector<512x128xbf16>,
    %ge3A_71 = arith.constant 5.312500e-01 : f32
    %ge3A_72 = vector.broadcast %ge3A_71 : f32 to vector<512x128xf32>
    %ge3A_73 = arith.cmpf oge, %get3A_1, %ge3A_72 : vector<512x128xf32>
    %convert_element_type3A_74 = arith.extui %ge3A_73 : vector<512x128xi1> to vector<512x128xi32>
    %convert_element_type3A_75 = arith.sitofp %convert_element_type3A_74 : vector<512x128xi32> to vector<512x128xf32>
    %convert_element_type3A_76 = arith.truncf %convert_element_type3A_75 : vector<512x128xf32> to vector<512x128xbf16>
    %swap3A_77 = arith.constant 0 : index
    %swap3A_78 = arith.constant 1024 : index
    %swap3A_79 = vector.load %arg1[%swap3A_77, %swap3A_78] : memref<512x2048xbf16, #tpu.memory_space<vmem>>, vector<512x128xbf16>
    tpu.vector_store %arg1[%swap3A_77, %swap3A_78], %convert_element_type3A_76 {strides = array<i32>} : memref<512x2048xbf16, #tpu.memory_space<vmem>>, vector<512x128xbf16>,
    %ge3A_80 = arith.constant 5.937500e-01 : f32
    %ge3A_81 = vector.broadcast %ge3A_80 : f32 to vector<512x128xf32>
    %ge3A_82 = arith.cmpf oge, %get3A_1, %ge3A_81 : vector<512x128xf32>
    %convert_element_type3A_83 = arith.extui %ge3A_82 : vector<512x128xi1> to vector<512x128xi32>
    %convert_element_type3A_84 = arith.sitofp %convert_element_type3A_83 : vector<512x128xi32> to vector<512x128xf32>
    %convert_element_type3A_85 = arith.truncf %convert_element_type3A_84 : vector<512x128xf32> to vector<512x128xbf16>
    %swap3A_86 = arith.constant 0 : index
    %swap3A_87 = arith.constant 1152 : index
    %swap3A_88 = vector.load %arg1[%swap3A_86, %swap3A_87] : memref<512x2048xbf16, #tpu.memory_space<vmem>>, vector<512x128xbf16>
    tpu.vector_store %arg1[%swap3A_86, %swap3A_87], %convert_element_type3A_85 {strides = array<i32>} : memref<512x2048xbf16, #tpu.memory_space<vmem>>, vector<512x128xbf16>,
    %ge3A_89 = arith.constant 6.562500e-01 : f32
    %ge3A_90 = vector.broadcast %ge3A_89 : f32 to vector<512x128xf32>
    %ge3A_91 = arith.cmpf oge, %get3A_1, %ge3A_90 : vector<512x128xf32>
    %convert_element_type3A_92 = arith.extui %ge3A_91 : vector<512x128xi1> to vector<512x128xi32>
    %convert_element_type3A_93 = arith.sitofp %convert_element_type3A_92 : vector<512x128xi32> to vector<512x128xf32>
    %convert_element_type3A_94 = arith.truncf %convert_element_type3A_93 : vector<512x128xf32> to vector<512x128xbf16>
    %swap3A_95 = arith.constant 0 : index
    %swap3A_96 = arith.constant 1280 : index
    %swap3A_97 = vector.load %arg1[%swap3A_95, %swap3A_96] : memref<512x2048xbf16, #tpu.memory_space<vmem>>, vector<512x128xbf16>
    tpu.vector_store %arg1[%swap3A_95, %swap3A_96], %convert_element_type3A_94 {strides = array<i32>} : memref<512x2048xbf16, #tpu.memory_space<vmem>>, vector<512x128xbf16>,
    %ge3A_98 = arith.constant 7.187500e-01 : f32
    %ge3A_99 = vector.broadcast %ge3A_98 : f32 to vector<512x128xf32>
    %ge3A_100 = arith.cmpf oge, %get3A_1, %ge3A_99 : vector<512x128xf32>
    %convert_element_type3A_101 = arith.extui %ge3A_100 : vector<512x128xi1> to vector<512x128xi32>
    %convert_element_type3A_102 = arith.sitofp %convert_element_type3A_101 : vector<512x128xi32> to vector<512x128xf32>
    %convert_element_type3A_103 = arith.truncf %convert_element_type3A_102 : vector<512x128xf32> to vector<512x128xbf16>
    %swap3A_104 = arith.constant 0 : index
    %swap3A_105 = arith.constant 1408 : index
    %swap3A_106 = vector.load %arg1[%swap3A_104, %swap3A_105] : memref<512x2048xbf16, #tpu.memory_space<vmem>>, vector<512x128xbf16>
    tpu.vector_store %arg1[%swap3A_104, %swap3A_105], %convert_element_type3A_103 {strides = array<i32>} : memref<512x2048xbf16, #tpu.memory_space<vmem>>, vector<512x128xbf16>,
    %ge3A_107 = arith.constant 7.812500e-01 : f32
    %ge3A_108 = vector.broadcast %ge3A_107 : f32 to vector<512x128xf32>
    %ge3A_109 = arith.cmpf oge, %get3A_1, %ge3A_108 : vector<512x128xf32>
    %convert_element_type3A_110 = arith.extui %ge3A_109 : vector<512x128xi1> to vector<512x128xi32>
    %convert_element_type3A_111 = arith.sitofp %convert_element_type3A_110 : vector<512x128xi32> to vector<512x128xf32>
    %convert_element_type3A_112 = arith.truncf %convert_element_type3A_111 : vector<512x128xf32> to vector<512x128xbf16>
    %swap3A_113 = arith.constant 0 : index
    %swap3A_114 = arith.constant 1536 : index
    %swap3A_115 = vector.load %arg1[%swap3A_113, %swap3A_114] : memref<512x2048xbf16, #tpu.memory_space<vmem>>, vector<512x128xbf16>
    tpu.vector_store %arg1[%swap3A_113, %swap3A_114], %convert_element_type3A_112 {strides = array<i32>} : memref<512x2048xbf16, #tpu.memory_space<vmem>>, vector<512x128xbf16>,
    %ge3A_116 = arith.constant 8.437500e-01 : f32
    %ge3A_117 = vector.broadcast %ge3A_116 : f32 to vector<512x128xf32>
    %ge3A_118 = arith.cmpf oge, %get3A_1, %ge3A_117 : vector<512x128xf32>
    %convert_element_type3A_119 = arith.extui %ge3A_118 : vector<512x128xi1> to vector<512x128xi32>
    %convert_element_type3A_120 = arith.sitofp %convert_element_type3A_119 : vector<512x128xi32> to vector<512x128xf32>
    %convert_element_type3A_121 = arith.truncf %convert_element_type3A_120 : vector<512x128xf32> to vector<512x128xbf16>
    %swap3A_122 = arith.constant 0 : index
    %swap3A_123 = arith.constant 1664 : index
    %swap3A_124 = vector.load %arg1[%swap3A_122, %swap3A_123] : memref<512x2048xbf16, #tpu.memory_space<vmem>>, vector<512x128xbf16>
    tpu.vector_store %arg1[%swap3A_122, %swap3A_123], %convert_element_type3A_121 {strides = array<i32>} : memref<512x2048xbf16, #tpu.memory_space<vmem>>, vector<512x128xbf16>,
    %ge3A_125 = arith.constant 9.062500e-01 : f32
    %ge3A_126 = vector.broadcast %ge3A_125 : f32 to vector<512x128xf32>
    %ge3A_127 = arith.cmpf oge, %get3A_1, %ge3A_126 : vector<512x128xf32>
    %convert_element_type3A_128 = arith.extui %ge3A_127 : vector<512x128xi1> to vector<512x128xi32>
    %convert_element_type3A_129 = arith.sitofp %convert_element_type3A_128 : vector<512x128xi32> to vector<512x128xf32>
    %convert_element_type3A_130 = arith.truncf %convert_element_type3A_129 : vector<512x128xf32> to vector<512x128xbf16>
    %swap3A_131 = arith.constant 0 : index
    %swap3A_132 = arith.constant 1792 : index
    %swap3A_133 = vector.load %arg1[%swap3A_131, %swap3A_132] : memref<512x2048xbf16, #tpu.memory_space<vmem>>, vector<512x128xbf16>
    tpu.vector_store %arg1[%swap3A_131, %swap3A_132], %convert_element_type3A_130 {strides = array<i32>} : memref<512x2048xbf16, #tpu.memory_space<vmem>>, vector<512x128xbf16>,
    %ge3A_134 = arith.constant 9.687500e-01 : f32
    %ge3A_135 = vector.broadcast %ge3A_134 : f32 to vector<512x128xf32>
    %ge3A_136 = arith.cmpf oge, %get3A_1, %ge3A_135 : vector<512x128xf32>
    %convert_element_type3A_137 = arith.extui %ge3A_136 : vector<512x128xi1> to vector<512x128xi32>
    %convert_element_type3A_138 = arith.sitofp %convert_element_type3A_137 : vector<512x128xi32> to vector<512x128xf32>
    %convert_element_type3A_139 = arith.truncf %convert_element_type3A_138 : vector<512x128xf32> to vector<512x128xbf16>
    %swap3A_140 = arith.constant 0 : index
    %swap3A_141 = arith.constant 1920 : index
    %swap3A_142 = vector.load %arg1[%swap3A_140, %swap3A_141] : memref<512x2048xbf16, #tpu.memory_space<vmem>>, vector<512x128xbf16>
    tpu.vector_store %arg1[%swap3A_140, %swap3A_141], %convert_element_type3A_139 {strides = array<i32>} : memref<512x2048xbf16, #tpu.memory_space<vmem>>, vector<512x128xbf16>,
    return
  }
}

module attributes {stable_mosaic.version = 14 : i64} {
  func.func @_mm0_body(%arg0: i32, %arg1: memref<512x2048xbf16, #tpu.memory_space<vmem>>, %arg2: memref<64x8x2048xf32, #tpu.memory_space<vmem>>, %arg3: memref<512x512xbf16, #tpu.memory_space<vmem>>) attributes {dimension_semantics = [#tpu.dimension_semantics<arbitrary>], iteration_bounds = array<i64: 8>, scalar_prefetch = 0 : i64, scratch_operands = 0 : i64, tpu.core_type = #tpu.core_type<tc>, window_params = [{pipeline_mode = #tpu.pipeline_mode<synchronous>, transform_indices = @transform_0, window_bounds = array<i64: 512, 2048>}, {transform_indices = @transform_1, window_bounds = array<i64: 64, 8, 2048>}, {transform_indices = @transform_2, window_bounds = array<i64: 512, 512>}]} {
    %get3A = arith.constant 0 : index
    %get3A_0 = arith.constant 0 : index
    %get3A_1 = arith.constant 0 : index
    %get3A_2 = vector.load %arg2[%get3A, %get3A_0, %get3A_1] : memref<64x8x2048xf32, #tpu.memory_space<vmem>>, vector<64x8x2048xf32>
    %reshape3A = vector.shape_cast %get3A_2 : vector<64x8x2048xf32> to vector<512x2048xf32>
    %get3A_3 = arith.constant 0 : index
    %get3A_4 = arith.constant 0 : index
    %get3A_5 = vector.load %arg1[%get3A_3, %get3A_4] : memref<512x2048xbf16, #tpu.memory_space<vmem>>, vector<512x2048xbf16>
    %convert_element_type3A = arith.truncf %reshape3A : vector<512x2048xf32> to vector<512x2048xbf16>
    %dot_general3A = arith.constant dense<0.000000e+00> : vector<512x512xf32>
    %dot_general3A_6 = tpu.matmul %get3A_5, %convert_element_type3A, %dot_general3A {dimension_numbers = #tpu.dot_dimension_numbers<[1], [1], [0], [0], [0, 0, 1, 0], [], []>, transpose_lhs_hint = false} : vector<512x2048xbf16>, vector<512x2048xbf16>, vector<512x512xf32> -> vector<512x512xf32>
    %ge3A = arith.constant 8.000000e+00 : f32
    %ge3A_7 = vector.broadcast %ge3A : f32 to vector<512x512xf32>
    %ge3A_8 = arith.cmpf oge, %dot_general3A_6, %ge3A_7 : vector<512x512xf32>
    %convert_element_type3A_9 = arith.extui %ge3A_8 : vector<512x512xi1> to vector<512x512xi32>
    %convert_element_type3A_10 = arith.sitofp %convert_element_type3A_9 : vector<512x512xi32> to vector<512x512xf32>
    %convert_element_type3A_11 = arith.truncf %convert_element_type3A_10 : vector<512x512xf32> to vector<512x512xbf16>
    %swap3A = arith.constant 0 : index
    %swap3A_12 = arith.constant 0 : index
    %swap3A_13 = vector.load %arg3[%swap3A, %swap3A_12] : memref<512x512xbf16, #tpu.memory_space<vmem>>, vector<512x512xbf16>
    tpu.vector_store %arg3[%swap3A, %swap3A_12], %convert_element_type3A_11 {strides = array<i32>} : memref<512x512xbf16, #tpu.memory_space<vmem>>, vector<512x512xbf16>,
    return
  }
  func.func @transform_0(%arg0: i32) -> (i32, i32) {
    %c0_i32 = arith.constant 0 : i32
    %c0_i32_0 = arith.constant 0 : i32
    %c0_i32_1 = arith.constant 0 : i32
    return %c0_i32, %c0_i32_0 : i32, i32
  }
  func.func @transform_1(%arg0: i32) -> (i32, i32, i32) {
    %c0_i32 = arith.constant 0 : i32
    %c0_i32_0 = arith.constant 0 : i32
    %c0_i32_1 = arith.constant 0 : i32
    return %arg0, %c0_i32, %c0_i32_0 : i32, i32, i32
  }
  func.func @transform_2(%arg0: i32) -> (i32, i32) {
    %c0_i32 = arith.constant 0 : i32
    %c0_i32_0 = arith.constant 0 : i32
    return %c0_i32, %arg0 : i32, i32
  }
}

module attributes {stable_mosaic.version = 14 : i64} {
  func.func @_mm1_out_body(%arg0: i32, %arg1: memref<512x4096xbf16, #tpu.memory_space<vmem>>, %arg2: memref<512x512xbf16, #tpu.memory_space<vmem>>, %arg3: memref<64x8x4096xf32, #tpu.memory_space<vmem>>, %arg4: memref<1x1000x512xf32, #tpu.memory_space<vmem>>, %arg5: memref<1x1000x512xf32, #tpu.memory_space<vmem>>, %arg6: memref<512x1000xf32, #tpu.memory_space<vmem>>) attributes {dimension_semantics = [#tpu.dimension_semantics<arbitrary>], iteration_bounds = array<i64: 8>, scalar_prefetch = 0 : i64, scratch_operands = 0 : i64, tpu.core_type = #tpu.core_type<tc>, window_params = [{pipeline_mode = #tpu.pipeline_mode<synchronous>, transform_indices = @transform_0, window_bounds = array<i64: 512, 4096>}, {transform_indices = @transform_1, window_bounds = array<i64: 512, 512>}, {transform_indices = @transform_2, window_bounds = array<i64: 64, 8, 4096>}, {transform_indices = @transform_3, window_bounds = array<i64: 1, 1000, 512>}, {transform_indices = @transform_4, window_bounds = array<i64: 1, 1000, 512>}, {pipeline_mode = #tpu.pipeline_mode<synchronous>, transform_indices = @transform_5, window_bounds = array<i64: 512, 1000>}]} {
    %get3A = arith.constant 0 : index
    %get3A_0 = arith.constant 0 : index
    %get3A_1 = arith.constant 0 : index
    %get3A_2 = vector.load %arg3[%get3A, %get3A_0, %get3A_1] : memref<64x8x4096xf32, #tpu.memory_space<vmem>>, vector<64x8x4096xf32>
    %reshape3A = vector.shape_cast %get3A_2 : vector<64x8x4096xf32> to vector<512x4096xf32>
    %convert_element_type3A = arith.truncf %reshape3A : vector<512x4096xf32> to vector<512x4096xbf16>
    %get3A_3 = arith.constant 0 : index
    %get3A_4 = arith.constant 0 : index
    %get3A_5 = vector.load %arg1[%get3A_3, %get3A_4] : memref<512x4096xbf16, #tpu.memory_space<vmem>>, vector<512x4096xbf16>
    %dot_general3A = arith.constant dense<0.000000e+00> : vector<512x512xf32>
    %dot_general3A_6 = tpu.matmul %get3A_5, %convert_element_type3A, %dot_general3A {dimension_numbers = #tpu.dot_dimension_numbers<[1], [1], [0], [0], [0, 0, 1, 0], [], []>, transpose_lhs_hint = false} : vector<512x4096xbf16>, vector<512x4096xbf16>, vector<512x512xf32> -> vector<512x512xf32>
    %ge3A = arith.constant 8.000000e+00 : f32
    %ge3A_7 = vector.broadcast %ge3A : f32 to vector<512x512xf32>
    %ge3A_8 = arith.cmpf oge, %dot_general3A_6, %ge3A_7 : vector<512x512xf32>
    %convert_element_type3A_9 = arith.extui %ge3A_8 : vector<512x512xi1> to vector<512x512xi32>
    %convert_element_type3A_10 = arith.sitofp %convert_element_type3A_9 : vector<512x512xi32> to vector<512x512xf32>
    %get3A_11 = arith.constant 0 : index
    %get3A_12 = arith.constant 0 : index
    %get3A_13 = arith.constant 0 : index
    %get3A_14 = vector.load %arg4[%get3A_11, %get3A_12, %get3A_13] : memref<1x1000x512xf32, #tpu.memory_space<vmem>>, vector<1x1000x512xf32>
    %reshape3A_15 = vector.shape_cast %get3A_14 : vector<1x1000x512xf32> to vector<1000x512xf32>
    %get3A_16 = arith.constant 0 : index
    %get3A_17 = arith.constant 0 : index
    %get3A_18 = arith.constant 0 : index
    %get3A_19 = vector.load %arg5[%get3A_16, %get3A_17, %get3A_18] : memref<1x1000x512xf32, #tpu.memory_space<vmem>>, vector<1x1000x512xf32>
    %reshape3A_20 = vector.shape_cast %get3A_19 : vector<1x1000x512xf32> to vector<1000x512xf32>
    %get3A_21 = arith.constant 0 : index
    %get3A_22 = arith.constant 0 : index
    %get3A_23 = vector.load %arg2[%get3A_21, %get3A_22] : memref<512x512xbf16, #tpu.memory_space<vmem>>, vector<512x512xbf16>
    %convert_element_type3A_24 = arith.extf %get3A_23 : vector<512x512xbf16> to vector<512x512xf32>
    %dot_general3A_25 = arith.constant dense<0.000000e+00> : vector<512x1000xf32>
    %dot_general3A_26 = tpu.matmul %convert_element_type3A_24, %reshape3A_15, %dot_general3A_25 {dimension_numbers = #tpu.dot_dimension_numbers<[1], [1], [0], [0], [0, 0, 1, 0], [], []>, transpose_lhs_hint = false} : vector<512x512xf32>, vector<1000x512xf32>, vector<512x1000xf32> -> vector<512x1000xf32>
    %dot_general3A_27 = arith.constant dense<0.000000e+00> : vector<512x1000xf32>
    %dot_general3A_28 = tpu.matmul %convert_element_type3A_10, %reshape3A_20, %dot_general3A_27 {dimension_numbers = #tpu.dot_dimension_numbers<[1], [1], [0], [0], [0, 0, 1, 0], [], []>, transpose_lhs_hint = false} : vector<512x512xf32>, vector<1000x512xf32>, vector<512x1000xf32> -> vector<512x1000xf32>
    %add3A = arith.addf %dot_general3A_26, %dot_general3A_28 : vector<512x1000xf32>
    %eq3A = arith.constant 0 : i32
    %eq3A_29 = arith.cmpi eq, %arg0, %eq3A : i32
    %convert_element_type3A_30 = arith.extui %eq3A_29 : i1 to i32
    %cond3A = arith.constant 0 : i32
    %cond3A_31 = arith.cmpi ne, %convert_element_type3A_30, %cond3A : i32
    scf.if %cond3A_31 {
      %swap3A = arith.constant 0 : index
      %swap3A_36 = arith.constant 0 : index
      %swap3A_37 = vector.load %arg6[%swap3A, %swap3A_36] : memref<512x1000xf32, #tpu.memory_space<vmem>>, vector<512x1000xf32>
      tpu.vector_store %arg6[%swap3A, %swap3A_36], %add3A {strides = array<i32>} : memref<512x1000xf32, #tpu.memory_space<vmem>>, vector<512x1000xf32>,
    } else {
    }
    %gt3A = arith.constant 0 : i32
    %gt3A_32 = arith.cmpi sgt, %arg0, %gt3A : i32
    %convert_element_type3A_33 = arith.extui %gt3A_32 : i1 to i32
    %cond3A_34 = arith.constant 0 : i32
    %cond3A_35 = arith.cmpi ne, %convert_element_type3A_33, %cond3A_34 : i32
    scf.if %cond3A_35 {
      %get3A_36 = arith.constant 0 : index
      %get3A_37 = arith.constant 0 : index
      %get3A_38 = vector.load %arg6[%get3A_36, %get3A_37] : memref<512x1000xf32, #tpu.memory_space<vmem>>, vector<512x1000xf32>
      %add3A_39 = arith.addf %get3A_38, %add3A : vector<512x1000xf32>
      %swap3A = arith.constant 0 : index
      %swap3A_40 = arith.constant 0 : index
      %swap3A_41 = vector.load %arg6[%swap3A, %swap3A_40] : memref<512x1000xf32, #tpu.memory_space<vmem>>, vector<512x1000xf32>
      tpu.vector_store %arg6[%swap3A, %swap3A_40], %add3A_39 {strides = array<i32>} : memref<512x1000xf32, #tpu.memory_space<vmem>>, vector<512x1000xf32>,
    } else {
    }
    return
  }
  func.func @transform_0(%arg0: i32) -> (i32, i32) {
    %c0_i32 = arith.constant 0 : i32
    %c0_i32_0 = arith.constant 0 : i32
    %c0_i32_1 = arith.constant 0 : i32
    return %c0_i32, %c0_i32_0 : i32, i32
  }
  func.func @transform_1(%arg0: i32) -> (i32, i32) {
    %c0_i32 = arith.constant 0 : i32
    %c0_i32_0 = arith.constant 0 : i32
    return %c0_i32, %arg0 : i32, i32
  }
  func.func @transform_2(%arg0: i32) -> (i32, i32, i32) {
    %c0_i32 = arith.constant 0 : i32
    %c0_i32_0 = arith.constant 0 : i32
    %c0_i32_1 = arith.constant 0 : i32
    return %arg0, %c0_i32, %c0_i32_0 : i32, i32, i32
  }
  func.func @transform_3(%arg0: i32) -> (i32, i32, i32) {
    %c0_i32 = arith.constant 0 : i32
    %c0_i32_0 = arith.constant 0 : i32
    %c0_i32_1 = arith.constant 0 : i32
    return %c0_i32, %c0_i32_0, %arg0 : i32, i32, i32
  }
  func.func @transform_4(%arg0: i32) -> (i32, i32, i32) {
    %c1_i32 = arith.constant 1 : i32
    %c0_i32 = arith.constant 0 : i32
    %c0_i32_0 = arith.constant 0 : i32
    return %c1_i32, %c0_i32, %arg0 : i32, i32, i32
  }
  func.func @transform_5(%arg0: i32) -> (i32, i32) {
    %c0_i32 = arith.constant 0 : i32
    %c0_i32_0 = arith.constant 0 : i32
    %c0_i32_1 = arith.constant 0 : i32
    return %c0_i32, %c0_i32_0 : i32, i32
  }
}

</mosaic_0001>

<sc_bundles>
// kernel: kernel.10.cloned.1.call-start
scs
__scs_entry_jumppad:
0x0: {  	(pc) =	sbr.rel $0x88, $3  }
0x1: {  	(tag) =	ssettag $0x0;
	lr =	simm.s32 $0x1  }
0x2: {  	[smem:$0x3F9B] =	sst lr;
	_ =	strace $0xD0000000  }
0x3: {  	_ = 	snop  }
0x4: {  	_ = 	snop  }
0x5: {  	_ = 	snop  }
0x6: {  	_ = 	snop  }
0x7: {  	_ = 	snop  }
__scs_overlays_trampoline_lowered:
0x8: {  	[smem:$0x3FAA] =	sst s0  }
0x9: {  	[smem:$0x3FAB] =	sst s1  }
0xa: {  	[smem:$0x3FAC] =	sst s2  }
0xb: {  	[smem:$0x3FAD] =	sst s3  }
0xc: {  	[smem:$0x3FAE] =	sst s4  }
0xd: {  	[smem:$0x3FAF] =	sst s5  }
0xe: {  	[smem:$0x3FB0] =	sst s6  }
0xf: {  	[smem:$0x3FB1] =	sst s7  }
0x10: {  	[smem:$0x3FB2] =	sst s8  }
0x11: {  	[smem:$0x3FB3] =	sst s9;
	s0 =	simm.s32 @!p0 $0x0  }
0x12: {  	s1 =	sld [smem:$0x3F99];
	s0 =	simm.s32 @p0 $0x1  }
0x13: {  	[smem:$0x3FB4] =	sst s0;
	s0 =	simm.s32 @!p1 $0x0  }
0x14: {  	s2 =	sld [smem:$0x3F98];
	s0 =	simm.s32 @p1 $0x1  }
0x15: {  	[smem:$0x3FB5] =	sst s0;
	s0 =	simm.s32 @!p2 $0x0  }
0x16: {  	s3 =	sld [smem:$0x3FDB];
	s0 =	simm.s32 @p2 $0x1  }
0x17: {  	s4 =	simm.s32 $0x1BF5;
	[smem:$0x3FB7] =	sst s0  }
0x18: {  	s0 =	sld [smem:$0x3F9A];
	_ =	swait.ge [sflag:s4], $0x0  }
0x19: {  	s7 =	sld [smem:$0x3F9B]  }
0x1a: {  	s8 =	sadd.s32 $0xFFFFE003, lr  }
0x1b: {  	s9 =	sadd.s32 $0xFFFFFEF7, lr;
	s5 =	simm.s32 $0xFFFFFFFF;
	p2 =	slt.u32 s8, $0xFFFFF086  }
0x1c: {  	p1 =	slt.u32 s9, $0xF7A;
	s5 =	simm.s32 @!p2 $0x0  }
0x1d: {  	s5 =	simm.s32 @p1 $0x1;
	p0 =	seq.s32 s7, s2  }
0x1e: {  	s7 =	smul.u32 @!p0 $0xF7A, s2;
	p2 =	seq.s32 @!p0 s5, $0x0  }
0x1f: {  	s9 =	smul.u32 $0xF7A, s1;
	s8 =	simm.s32 @!p0 $0x1BF5;
	p2 =	por !p2, p0  }
0x20: {  	[sflag:s8] =	ssyncset.s32 @!p0 $0xFFFFF086;
	s6 =	sadd.s32 @!p0 s3, s7;
	s7 =	simm.s32 @!p0 $0x108  }
0x21: {  	s3 =	sadd.s32 s3, s9;
	s6 =	sadd.s32 @!p0 $0x88, s6;
	s7 =	simm.s32 @p2 $0x1082  }
0x22: {  	[simem:s7], [sflag:s8] =	dma.local @!p0 [hbm:s6], $0xF7A  }
0x23: {  	s9 =	sor.u32 $0xD0000000, s2;
	s6 =	simm.s32 $0x108;
	_ =	swait.ge @!p0 [sflag:s8], $0x0  }
0x24: {  	s3 =	sadd.s32 $0x88, s3;
	s6 =	simm.s32 @!p1 $0x1082;
	[sflag:s4] =	ssyncset.s32 $0xFFFFF086  }
0x25: {  	[simem:s6], [sflag:s4] =	dma.local [hbm:s3], $0xF7A  }
0x26: {  	[smem:$0x3F9B] =	sst s1;
	(tag) =	ssettag s2;
	_ =	strace s9  }
0x27: {  	s1 =	sld [smem:$0x3FAB]  }
0x28: {  	s2 =	sld [smem:$0x3FAC]  }
0x29: {  	s4 =	sld [smem:$0x3FAE]  }
0x2a: {  	p0 =	seq.s32 s5, $0x0;
	s5 =	sld [smem:$0x3FAF]  }
0x2b: {  	s6 =	sld [smem:$0x3FB0]  }
0x2c: {  	s7 =	sld [smem:$0x3FB1]  }
0x2d: {  	s3 =	simm.s32 $0x108;
	s8 =	sld [smem:$0x3FB2]  }
0x2e: {  	s3 =	simm.s32 @!p0 $0x1082;
	s9 =	sld [smem:$0x3FB3]  }
0x2f: {  	lr =	sadd.s32 s0, s3;
	s0 =	sld [smem:$0x3FAA]  }
0x30: {  	s3 =	sld [smem:$0x3FAD]  }
0x31: {  	[smem:$0x3FB6] =	sst s10  }
0x32: {  	s10 =	sld [smem:$0x3FB4];
	_ =	sdelay $0x3  }
0x33: {  	p0 =	seq.s32 s10, $0x1;
	s10 =	sld [smem:$0x3FB6];
	_ =	sdelay $0x3  }
0x34: {  	[smem:$0x3FB6] =	sst s10  }
0x35: {  	s10 =	sld [smem:$0x3FB5];
	_ =	sdelay $0x3  }
0x36: {  	p1 =	seq.s32 s10, $0x1;
	s10 =	sld [smem:$0x3FB6];
	_ =	sdelay $0x3  }
0x37: {  	[smem:$0x3FB6] =	sst s10  }
0x38: {  	s10 =	sld [smem:$0x3FB7]  }
0x39: {  	_ = 	snop;
	(pc) =	sbr.ind lr, $3  }
0x3a: {  	_ = 	snop  }
0x3b: {  	_ = 	snop  }
0x3c: {  	p2 =	seq.s32 s10, $0x1;
	s10 =	sld [smem:$0x3FB6]  }
0x3d: {  	_ =	shalt  }
0x3e: {  	_ =	shalt  }
0x3f: {  	_ =	shalt  }
0x40: {  	_ =	shalt  }
0x41: {  	_ =	shalt  }
0x42: {  	_ =	shalt  }
0x43: {  	_ =	shalt  }
0x44: {  	_ =	shalt  }
0x45: {  	_ =	shalt  }
0x46: {  	_ =	shalt  }
0x47: {  	_ =	shalt  }
0x48: {  	_ =	shalt  }
0x49: {  	_ =	shalt  }
0x4a: {  	_ =	shalt  }
0x4b: {  	_ =	shalt  }
0x4c: {  	_ =	shalt  }
0x4d: {  	_ =	shalt  }
0x4e: {  	_ =	shalt  }
0x4f: {  	_ =	shalt  }
0x50: {  	_ =	shalt  }
0x51: {  	_ =	shalt  }
0x52: {  	_ =	shalt  }
0x53: {  	_ =	shalt  }
0x54: {  	_ =	shalt  }
0x55: {  	_ =	shalt  }
0x56: {  	_ =	shalt  }
0x57: {  	_ =	shalt  }
0x58: {  	_ =	shalt  }
0x59: {  	_ =	shalt  }
0x5a: {  	_ =	shalt  }
0x5b: {  	_ =	shalt  }
0x5c: {  	_ =	shalt  }
0x5d: {  	_ =	shalt  }
0x5e: {  	_ =	shalt  }
0x5f: {  	_ =	shalt  }
0x60: {  	_ =	shalt  }
0x61: {  	_ =	shalt  }
0x62: {  	_ =	shalt  }
0x63: {  	_ =	shalt  }
0x64: {  	_ =	shalt  }
0x65: {  	_ =	shalt  }
0x66: {  	_ =	shalt  }
0x67: {  	_ =	shalt  }
0x68: {  	_ =	shalt  }
0x69: {  	_ =	shalt  }
0x6a: {  	_ =	shalt  }
0x6b: {  	_ =	shalt  }
0x6c: {  	_ =	shalt  }
0x6d: {  	_ =	shalt  }
0x6e: {  	_ =	shalt  }
0x6f: {  	_ =	shalt  }
0x70: {  	_ =	shalt  }
0x71: {  	_ =	shalt  }
0x72: {  	_ =	shalt  }
0x73: {  	_ =	shalt  }
0x74: {  	_ =	shalt  }
0x75: {  	_ =	shalt  }
0x76: {  	_ =	shalt  }
0x77: {  	_ =	shalt  }
0x78: {  	_ =	shalt  }
0x79: {  	_ =	shalt  }
0x7a: {  	_ =	shalt  }
0x7b: {  	_ =	shalt  }
0x7c: {  	_ =	shalt  }
0x7d: {  	_ =	shalt  }
0x7e: {  	_ =	shalt  }
0x7f: {  	_ =	shalt  }
0x80: {  	_ =	shalt  }
0x81: {  	_ =	shalt  }
0x82: {  	_ =	shalt  }
0x83: {  	_ =	shalt  }
0x84: {  	_ =	shalt  }
0x85: {  	_ =	shalt  }
0x86: {  	_ =	shalt  }
0x87: {  	_ =	shalt  }
.Lfunc_end0:
.L_simem_size_0:
called_computation.1_lowered:
.L_overlay_start_0:
0x88: {  	s2 =	sld [smem:$0x3FD9]  }
0x89: {  	s3 =	sld [smem:$0x3FFE];
	_ =	sdelay $0x1  }
0x8a: {  	s1 =	srdreg.scid  }
0x8b: {  	s0 =	sand.u32 $0x1, s1  }
0x8c: {  	s17 =	sshll.u32 s0, $0xA;
	s2 =	sadd.s32 s3, s2  }
0x8d: {  	s2 =	sadd.s32 s2, s17  }
0x8e: {  	[smem:$0x3FC2] =	sst s2  }
0x8f: {  	_ = 	snop  }
0x90: {  	(tm) =	ssettm $0x1  }
0x91: {  	s18 =	sld [smem:$0x3FFB];
	_ =	sdelay $0x3  }
0x92: {  	_ =	strace s18  }
0x93: {  	s2 =	sld [smem:$0x3FFC];
	_ =	sdelay $0x3  }
0x94: {  	_ =	strace s2  }
0x95: {  	s2 =	sld [smem:$0x3FFD];
	_ =	sdelay $0x3  }
0x96: {  	_ =	strace s2  }
0x97: {  	_ =	strace $0x8FFFFFFF  }
0x98: {  	s19 =	sld [smem:$0x3FDB];
	_ =	sdelay $0x1  }
0x99: {  	s20 =	simm.s32 $_scs_section_size  }
0x9a: {  	s4 =	simm.s32 $_size__tile_overlayer_lowered;
	s5 =	simm.s32 $_tile_overlayer_lowered  }
0x9b: {  	s6 =	simm.s32 $0x1BFF;
	s21 =	sshll.u32 s5, $0x1;
	s3 =	sadd.s32 s20, s19  }
0x9c: {  	s22 =	simm.s32 $0x0;
	s4 =	sshll.u32 s4, $0x1;
	s5 =	sadd.s32 s21, s3  }
0x9d: {  	[timem:s22], [sflag:s6] =	dma.local [hbm:s5], s4  }
0x9e: {  	_ =	swait.ge [sflag:s6], s4  }
0x9f: {  	s4 =	ssub.s32 $0x0, s4;
	[sflag:s6] =	ssyncset.done $0x0  }
0xa0: {  	[sflag:s6] =	ssyncadd.s32 s4;
	_ =	sdelay $0x1  }
0xa1: {  	s23 =	simm.s32 $0x1B8B  }
0xa2: {  	_ =	swait.ge [sflag:s23], $0x1  }
0xa3: {  	[sflag:s23] =	ssyncset.done $0x0  }
0xa4: {  	[sflag:s23] =	ssyncadd.s32 $0xFFFFFFFF  }
0xa5: {  	s4 =	sld [smem:$0x0]  }
0xa6: {  	s5 =	sand.u32 $0xFFFFFFFE, s1  }
0xa7: {  	p0 =	sne.s32 s1, s5  }
0xa8: {  	s5 =	sshll.u32 @p0 s5, $0xE  }
0xa9: {  	s5 =	sadd.s32 @p0 $0x11B8D, s5;
	s6 =	sshll.u32 @p0 s4, $0x11  }
0xaa: {  	s5 =	sor.u32 @p0 s6, s5  }
0xab: {  	[sflag:s5] =	ssyncadd.remote.s32 @p0 $0x1;
	_ =	sdelay $0x1  }
0xac: {  	s5 =	simm.s32 @p0 $0x1B8D  }
0xad: {  	_ =	swait.eq @p0 [sflag:s5], $0x1  }
0xae: {  	[sflag:s5] =	ssyncadd.s32 @p0 $0xFFFFFFFF  }
0xaf: {  	s6 =	sshll.u32 @!p0 s1, $0xE  }
0xb0: {  	s6 =	sor.u32 @!p0 $0x4000, s6;
	s5 =	simm.s32 @!p0 $0x1B8D  }
0xb1: {  	s4 =	sshll.u32 @!p0 s4, $0x11;
	s6 =	sadd.s32 @!p0 $0x11B8D, s6;
	_ =	swait.eq @!p0 [sflag:s5], $0x1  }
0xb2: {  	s4 =	sor.u32 @!p0 s4, s6;
	[sflag:s5] =	ssyncadd.s32 @!p0 $0xFFFFFFFF  }
0xb3: {  	s25 =	simm.s32 $0x1B8E;
	s24 =	sld [smem:$0x3FFE];
	[sflag:s4] =	ssyncadd.remote.s32 @!p0 $0x1  }
0xb4: {  	s26 =	simm.s32 $execute0_lowered;
	[smem:$0x3FD2] =	sst s25  }
0xb5: {  	s5 =	sshll.u32 s26, $0x1;
	_ =	strace $0x80000049;
	[dreg:$0x1] =	wrdreg $0xFFFFFFFF  }
0xb6: {  	s28 =	simm.s32 $_size_execute0_lowered;
	s3 =	sadd.s32 s3, s5;
	[dreg:$0x0] =	wrdreg $0x0  }
0xb7: {  	s5 =	sshll.u32 s28, $0x1;
	[dreg:$0x2] =	wrdreg s3  }
0xb8: {  	[dreg:$0x3] =	wrdreg s5  }
0xb9: {  	[dreg:$0x4] =	wrdreg $0xC0  }
0xba: {  	_ =	task [dreg:s22], $0x5FFFF  }
0xbb: {  	[dreg:$0x1] =	wrdreg $0xFFFFFFFF  }
0xbc: {  	[dreg:$0x0] =	wrdreg $0x60  }
0xbd: {  	[dreg:$0x2] =	wrdreg s24  }
0xbe: {  	[dreg:$0x3] =	wrdreg $0xA  }
0xbf: {  	_ =	task.clear_ibuf [dreg:s22], $0x4FFFF;
	_ =	strace $0x90000049  }
0xc0: {  	s29 =	simm.s32 $0xA;
	_ =	strace $0x8000004B  }
0xc1: {  	_ =	swait.ge [sflag:s29], $0x1  }
0xc2: {  	[sflag:s29] =	ssyncadd.s32 $0xFFFFFFFF  }
0xc3: {  	_ =	strace $0x9000004B  }
0xc4: {  	_ =	sfence  }
0xc5: {  	s30 =	sld [smem:$0x0];
	_ =	sdelay $0x2  }
0xc6: {  	s31 =	sshll.u32 s1, $0xD;
	s1 =	sshrl.u32 s1, $0x2  }
0xc7: {  	s4 =	sand.u32 $0x4000, s31;
	s1 =	sadd.s32 s1, s30  }
0xc8: {  	s0 =	sor.u32 s4, s0;
	s1 =	sshll.u32 s1, $0x11  }
0xc9: {  	s0 =	sor.u32 s1, s0  }
0xca: {  	s0 =	sadd.s32 $0x8F2B, s0  }
0xcb: {  	[sflag:s0] =	ssyncadd.remote.s32 $0x1  }
0xcc: {  	_ =	sfence.sel $0xFFFF  }
0xcd: {  	[dreg:$0x0] =	wrdreg $0xFFFFFFFF;
	(pc) =	sbr.abs _section_cstart, $3  }
0xce: {  	[dreg:$0x1] =	wrdreg $0xFFFFFFFF  }
0xcf: {  	_ =	task.clear_ibuf [dreg:s22], $0x2FFFF;
	_ =	strace $0x9FFFFFFF  }
0xd0: {  	(tm) =	ssettm $0x7FFFFFFF  }
0xd1: {  	_ =	shalt  }
tec
execute0_lowered:
.L_overlay_start_1:
0x0: {  	(tag) =	ssettag $0x1  }
0x1: {  	s3 =	rddreg [dreg:$0x0]  }
0x2: {  	s0 =	rddreg [dreg:$0x1];
	s2 =	simm.s32 $0x0;
	s4 =	srdreg.scid  }
0x3: {  	s1 =	stileid.u32;
	[smem:$0x7FF] =	sst s2;
	s4 =	sand.u32 $0x1, s4  }
0x4: {  	s5 =	sshll.u32 s1, $0xC;
	s30 =	sshll.u32 s1, $0x11;
	_ =	strace $0x8000004A  }
0x5: {  	s6 =	sshll.u32 s4, $0xB;
	s7 =	ssub.s32 $0x2, s4;
	s4 =	sshll.u32 s4, $0x10  }
0x6: {  	s5 =	sor.u32 s6, s5;
	s6 =	sadd.s32 s30, s3;
	s8 =	sshrl.u32 s7, $0x1  }
0x7: {  	s3 =	sadd.s32 s5, s3;
	s31 =	ssub.s32 s7, s8;
	s6 =	sadd.s32 s4, s6  }
0x8: {  	s7 =	simm.s32 $0x4000;
	s8 =	simm.s32 $0x0;
	s3 =	sadd.s32 $0x111000, s3  }
0x9: {  	v0 =	vimm.f32 $0.0e+00;
	s4 =	smax.u32 s31, $0x1;
	s5 =	sadd.s32 $0x121000, s6;
	s6 =	simm.s32 $0x1  }
.LBB2_1:
0xa: {  	s9 =	sand.u32 $0x70, s2;
	s10 =	sand.u32 $0x7C00, s2  }
0xb: {  	s9 =	sor.u32 s9, s10  }
0xc: {  	s11 =	simm.s32 $0x0;
	s10 =	simm.s32 $0x10;
	[tilespmem:s9+$0x4000] =	vst v0  }
.LBB2_2:
0xd: {  	p0 =	sne.s32 s10, $0xFF0  }
.Ltmp0:
0xe: {  	_ = 	snop;
	(pc) =	sbr.rel @p0 .LBB2_2-.Ltmp0, $4  }
0xf: {  	s11 =	sadd.s32 $0x80, s11  }
0x10: {  	s9 =	sand.u32 $0x70, s10;
	s12 =	sand.u32 $0x7C00, s11  }
0x11: {  	s9 =	sor.u32 s9, s12  }
0x12: {  	s10 =	sadd.s32 $0x10, s10;
	[tilespmem:s9+$0x4000] =	vst v0;
	s9 =	simm.s32 $0x0  }
0x13: {  	s10 =	sand.u32 $0x70, s9;
	s11 =	sand.u32 $0x7C00, s9  }
0x14: {  	s10 =	sor.u32 s10, s11  }
0x15: {  	s12 =	simm.s32 $0x0;
	s11 =	simm.s32 $0x10;
	[tilespmem:s10+$0x4080] =	vst v0  }
.LBB2_4:
0x16: {  	p0 =	sne.s32 s11, $0xFF0  }
.Ltmp1:
0x17: {  	_ = 	snop;
	(pc) =	sbr.rel @p0 .LBB2_4-.Ltmp1, $4  }
0x18: {  	s12 =	sadd.s32 $0x80, s12  }
0x19: {  	s13 =	sand.u32 $0x70, s11;
	s14 =	sand.u32 $0x7C00, s12  }
0x1a: {  	s13 =	sor.u32 s13, s14  }
0x1b: {  	s11 =	sadd.s32 $0x10, s11;
	[tilespmem:s13+$0x4080] =	vst v0  }
0x1c: {  	s11 =	simm.s32 $0x10;
	[tilespmem:s10+$0x4100] =	vst v0  }
.LBB2_6:
0x1d: {  	p0 =	sne.s32 s11, $0xFF0  }
.Ltmp2:
0x1e: {  	_ = 	snop;
	(pc) =	sbr.rel @p0 .LBB2_6-.Ltmp2, $4  }
0x1f: {  	s9 =	sadd.s32 $0x80, s9  }
0x20: {  	s10 =	sand.u32 $0x70, s11;
	s12 =	sand.u32 $0x7C00, s9  }
0x21: {  	s10 =	sor.u32 s10, s12  }
0x22: {  	s11 =	sadd.s32 $0x10, s11;
	[tilespmem:s10+$0x4100] =	vst v0;
	s10 =	simm.s32 $0x0  }
0x23: {  	s9 =	sand.u32 $0x70, s10;
	s11 =	sand.u32 $0x7C00, s10  }
0x24: {  	s9 =	sor.u32 s9, s11  }
0x25: {  	s12 =	simm.s32 $0x0;
	s11 =	simm.s32 $0x10;
	[tilespmem:s9+$0x4180] =	vst v0  }
.LBB2_8:
0x26: {  	p0 =	sne.s32 s11, $0xFF0  }
.Ltmp3:
0x27: {  	_ = 	snop;
	(pc) =	sbr.rel @p0 .LBB2_8-.Ltmp3, $4  }
0x28: {  	s12 =	sadd.s32 $0x80, s12  }
0x29: {  	s13 =	sand.u32 $0x70, s11;
	s14 =	sand.u32 $0x7C00, s12  }
0x2a: {  	s13 =	sor.u32 s13, s14  }
0x2b: {  	s11 =	sadd.s32 $0x10, s11;
	[tilespmem:s13+$0x4180] =	vst v0  }
0x2c: {  	s11 =	simm.s32 $0x10;
	[tilespmem:s9+$0x4200] =	vst v0  }
.LBB2_10:
0x2d: {  	p0 =	sne.s32 s11, $0xFF0  }
.Ltmp4:
0x2e: {  	_ = 	snop;
	(pc) =	sbr.rel @p0 .LBB2_10-.Ltmp4, $4  }
0x2f: {  	s10 =	sadd.s32 $0x80, s10  }
0x30: {  	s9 =	sand.u32 $0x70, s11;
	s12 =	sand.u32 $0x7C00, s10  }
0x31: {  	s9 =	sor.u32 s9, s12  }
0x32: {  	s11 =	sadd.s32 $0x10, s11;
	[tilespmem:s9+$0x4200] =	vst v0;
	s9 =	simm.s32 $0x0  }
0x33: {  	s10 =	sand.u32 $0x70, s9;
	s11 =	sand.u32 $0x7C00, s9  }
0x34: {  	s11 =	sor.u32 s10, s11  }
0x35: {  	s10 =	simm.s32 $0x10;
	[tilespmem:s11+$0x4280] =	vst v0;
	s11 =	simm.s32 $0x0  }
.LBB2_12:
0x36: {  	p0 =	sne.s32 s10, $0xFF0  }
.Ltmp5:
0x37: {  	_ = 	snop;
	(pc) =	sbr.rel @p0 .LBB2_12-.Ltmp5, $4  }
0x38: {  	s11 =	sadd.s32 $0x80, s11  }
0x39: {  	s12 =	sand.u32 $0x70, s10;
	s13 =	sand.u32 $0x7C00, s11  }
0x3a: {  	s12 =	sor.u32 s12, s13  }
0x3b: {  	s10 =	sadd.s32 $0x10, s10;
	[tilespmem:s12+$0x4280] =	vst v0  }
0x3c: {  	s10 =	simm.s32 $0x0  }
.LBB2_14:
0x3d: {  	p0 =	sne.s32 s10, $0xFF0  }
.Ltmp6:
0x3e: {  	_ = 	snop;
	(pc) =	sbr.rel @p0 .LBB2_14-.Ltmp6, $4  }
0x3f: {  	_ = 	snop  }
0x40: {  	s11 =	sand.u32 $0x70, s10;
	s12 =	sand.u32 $0x7C00, s9  }
0x41: {  	s11 =	sor.u32 s11, s12  }
0x42: {  	s9 =	sadd.s32 $0x80, s9;
	s10 =	sadd.s32 $0x10, s10;
	[tilespmem:s11+$0x4300] =	vst v0  }
0x43: {  	s9 =	simm.s32 $0x0  }
0x44: {  	s10 =	sand.u32 $0x70, s9;
	s11 =	sand.u32 $0x7C00, s9  }
0x45: {  	s11 =	sor.u32 s10, s11  }
0x46: {  	s10 =	simm.s32 $0x10;
	[tilespmem:s11+$0x4380] =	vst v0  }
.LBB2_16:
0x47: {  	p0 =	sne.s32 s10, $0xFF0  }
.Ltmp7:
0x48: {  	_ = 	snop;
	(pc) =	sbr.rel @p0 .LBB2_16-.Ltmp7, $4  }
0x49: {  	s9 =	sadd.s32 $0x80, s9  }
0x4a: {  	s11 =	sand.u32 $0x70, s10;
	s12 =	sand.u32 $0x7C00, s9  }
0x4b: {  	s11 =	sor.u32 s11, s12  }
0x4c: {  	s10 =	sadd.s32 $0x10, s10;
	[tilespmem:s11+$0x4380] =	vst v0  }
0x4d: {  	s9 =	simm.s32 $0x0  }
0x4e: {  	[tilespmem:s9], [sflag:$0x1] =	stream.linear.gather [hbm4b:s3+s9], $0x4000, $0x38;
	[tilespmem:$0xC000] =	vst v63  }
0x4f: {  	_ =	swait.ge [sflag:s6], $0x4000  }
0x50: {  	[sflag:s6] =	ssyncset.done $0x0  }
0x51: {  	[sflag:s6] =	ssyncadd.s32 $0xFFFFC000  }
.LBB2_18:
0x52: {  	s10 =	sshra.s32 s9, $0x2  }
0x53: {  	v1 =	vld [tilespmem:s10+$0x0];
	_ =	sdelay $0x4  }
0x54: {  	v2 =	vshll.u32 v1, $0x3  }
0x55: {  	v3 =	vand.u32 $0x7F, v1;
	v2 =	vand.u32 $0xFC00, v2  }
0x56: {  	v4 =	vshra.s32 v1, $0xC;
	v1 =	vor.u32 v3, v2  }
0x57: {  	v2 =	vand.u32 $0xFFFFFFFE, v4  }
0x58: {  	v2 =	vsub.s32 $0x1, v2  }
0x59: {  	v2 =	vcvt.s32.f32 v2;
	_ =	sdelay $0x1  }
0x5a: {  	[tilespmem:v1+s7+$0x0] =	vst.idx.add.f32.msk $0xffff, v2  }
0x5b: {  	v2 =	vld [tilespmem:s10+$0x10];
	_ =	sdelay $0x4  }
0x5c: {  	v3 =	vshll.u32 v2, $0x3  }
0x5d: {  	v40 =	vand.u32 $0x7F, v2;
	v3 =	vand.u32 $0xFC00, v3  }
0x5e: {  	v5 =	vshra.s32 v2, $0xC;
	v2 =	vor.u32 v40, v3  }
0x5f: {  	v3 =	vand.u32 $0xFFFFFFFE, v5  }
0x60: {  	v3 =	vsub.s32 $0x1, v3  }
0x61: {  	v3 =	vcvt.s32.f32 v3;
	_ =	sdelay $0x1  }
0x62: {  	[tilespmem:v2+s7+$0x0] =	vst.idx.add.f32.msk $0xffff, v3  }
0x63: {  	v3 =	vld [tilespmem:s10+$0x80];
	_ =	sdelay $0x4  }
0x64: {  	v41 =	vshll.u32 v3, $0x3  }
0x65: {  	v42 =	vand.u32 $0x7F, v3;
	v4 =	vand.u32 $0xFC00, v41  }
0x66: {  	v4 =	vor.u32 v4, v42  }
0x67: {  	v43 =	vshra.s32 v3, $0xC;
	v3 =	vor.u32 $0x80, v4  }
0x68: {  	v44 =	vand.u32 $0xFFFFFFFE, v43  }
0x69: {  	v4 =	vsub.s32 $0x1, v44  }
0x6a: {  	v4 =	vcvt.s32.f32 v4;
	_ =	sdelay $0x1  }
0x6b: {  	[tilespmem:v3+s7+$0x0] =	vst.idx.add.f32.msk $0xffff, v4  }
0x6c: {  	v4 =	vld [tilespmem:s10+$0x90];
	_ =	sdelay $0x4  }
0x6d: {  	v45 =	vshll.u32 v4, $0x3  }
0x6e: {  	v6 =	vand.u32 $0x7F, v4;
	v5 =	vand.u32 $0xFC00, v45  }
0x6f: {  	v5 =	vor.u32 v5, v6  }
0x70: {  	v46 =	vshra.s32 v4, $0xC;
	v47 =	vor.u32 $0x80, v5  }
0x71: {  	v48 =	vand.u32 $0xFFFFFFFE, v46  }
0x72: {  	v5 =	vsub.s32 $0x1, v48  }
0x73: {  	v5 =	vcvt.s32.f32 v5;
	_ =	sdelay $0x1  }
0x74: {  	[tilespmem:v47+s7+$0x0] =	vst.idx.add.f32.msk $0xffff, v5  }
0x75: {  	v5 =	vld [tilespmem:s10+$0x100];
	_ =	sdelay $0x4  }
0x76: {  	v49 =	vshll.u32 v5, $0x3  }
0x77: {  	v7 =	vand.u32 $0x7F, v5;
	v6 =	vand.u32 $0xFC00, v49  }
0x78: {  	v6 =	vor.u32 v6, v7  }
0x79: {  	v50 =	vshra.s32 v5, $0xC;
	v51 =	vor.u32 $0x100, v6  }
0x7a: {  	v52 =	vand.u32 $0xFFFFFFFE, v50  }
0x7b: {  	v6 =	vsub.s32 $0x1, v52  }
0x7c: {  	v6 =	vcvt.s32.f32 v6;
	_ =	sdelay $0x1  }
0x7d: {  	[tilespmem:v51+s7+$0x0] =	vst.idx.add.f32.msk $0xffff, v6  }
0x7e: {  	v6 =	vld [tilespmem:s10+$0x110];
	_ =	sdelay $0x4  }
0x7f: {  	v53 =	vshll.u32 v6, $0x3  }
0x80: {  	v8 =	vand.u32 $0x7F, v6;
	v7 =	vand.u32 $0xFC00, v53  }
0x81: {  	v7 =	vor.u32 v7, v8  }
0x82: {  	v6 =	vshra.s32 v6, $0xC;
	v7 =	vor.u32 $0x100, v7  }
0x83: {  	v6 =	vand.u32 $0xFFFFFFFE, v6  }
0x84: {  	v6 =	vsub.s32 $0x1, v6  }
0x85: {  	v6 =	vcvt.s32.f32 v6;
	_ =	sdelay $0x1  }
0x86: {  	[tilespmem:v7+s7+$0x0] =	vst.idx.add.f32.msk $0xffff, v6  }
0x87: {  	v6 =	vld [tilespmem:s10+$0x180];
	_ =	sdelay $0x4  }
0x88: {  	v54 =	vshll.u32 v6, $0x3  }
0x89: {  	v9 =	vand.u32 $0x7F, v6;
	v8 =	vand.u32 $0xFC00, v54  }
0x8a: {  	v8 =	vor.u32 v8, v9  }
0x8b: {  	v6 =	vshra.s32 v6, $0xC;
	v8 =	vor.u32 $0x180, v8  }
0x8c: {  	v6 =	vand.u32 $0xFFFFFFFE, v6  }
0x8d: {  	v6 =	vsub.s32 $0x1, v6  }
0x8e: {  	v6 =	vcvt.s32.f32 v6;
	_ =	sdelay $0x1  }
0x8f: {  	[tilespmem:v8+s7+$0x0] =	vst.idx.add.f32.msk $0xffff, v6  }
0x90: {  	v6 =	vld [tilespmem:s10+$0x190];
	_ =	sdelay $0x4  }
0x91: {  	v55 =	vshll.u32 v6, $0x3  }
0x92: {  	v10 =	vand.u32 $0x7F, v6;
	v9 =	vand.u32 $0xFC00, v55  }
0x93: {  	v9 =	vor.u32 v9, v10  }
0x94: {  	v6 =	vshra.s32 v6, $0xC;
	v9 =	vor.u32 $0x180, v9  }
0x95: {  	v6 =	vand.u32 $0xFFFFFFFE, v6  }
0x96: {  	v6 =	vsub.s32 $0x1, v6  }
0x97: {  	v6 =	vcvt.s32.f32 v6;
	_ =	sdelay $0x1  }
0x98: {  	[tilespmem:v9+s7+$0x0] =	vst.idx.add.f32.msk $0xffff, v6  }
0x99: {  	v6 =	vld [tilespmem:s10+$0x200];
	_ =	sdelay $0x4  }
0x9a: {  	v56 =	vshll.u32 v6, $0x3  }
0x9b: {  	v11 =	vand.u32 $0x7F, v6;
	v10 =	vand.u32 $0xFC00, v56  }
0x9c: {  	v10 =	vor.u32 v10, v11  }
0x9d: {  	v6 =	vshra.s32 v6, $0xC;
	v10 =	vor.u32 $0x200, v10  }
0x9e: {  	v6 =	vand.u32 $0xFFFFFFFE, v6  }
0x9f: {  	v6 =	vsub.s32 $0x1, v6  }
0xa0: {  	v6 =	vcvt.s32.f32 v6;
	_ =	sdelay $0x1  }
0xa1: {  	[tilespmem:v10+s7+$0x0] =	vst.idx.add.f32.msk $0xffff, v6  }
0xa2: {  	v6 =	vld [tilespmem:s10+$0x210];
	_ =	sdelay $0x4  }
0xa3: {  	v57 =	vshll.u32 v6, $0x3  }
0xa4: {  	v12 =	vand.u32 $0x7F, v6;
	v11 =	vand.u32 $0xFC00, v57  }
0xa5: {  	v11 =	vor.u32 v11, v12  }
0xa6: {  	v6 =	vshra.s32 v6, $0xC;
	v11 =	vor.u32 $0x200, v11  }
0xa7: {  	v6 =	vand.u32 $0xFFFFFFFE, v6  }
0xa8: {  	v6 =	vsub.s32 $0x1, v6  }
0xa9: {  	v6 =	vcvt.s32.f32 v6;
	_ =	sdelay $0x1  }
0xaa: {  	[tilespmem:v11+s7+$0x0] =	vst.idx.add.f32.msk $0xffff, v6  }
0xab: {  	v6 =	vld [tilespmem:s10+$0x280];
	_ =	sdelay $0x4  }
0xac: {  	v58 =	vshll.u32 v6, $0x3  }
0xad: {  	v13 =	vand.u32 $0x7F, v6;
	v12 =	vand.u32 $0xFC00, v58  }
0xae: {  	v12 =	vor.u32 v12, v13  }
0xaf: {  	v6 =	vshra.s32 v6, $0xC;
	v12 =	vor.u32 $0x280, v12  }
0xb0: {  	v6 =	vand.u32 $0xFFFFFFFE, v6  }
0xb1: {  	v6 =	vsub.s32 $0x1, v6  }
0xb2: {  	v6 =	vcvt.s32.f32 v6;
	_ =	sdelay $0x1  }
0xb3: {  	[tilespmem:v12+s7+$0x0] =	vst.idx.add.f32.msk $0xffff, v6  }
0xb4: {  	v6 =	vld [tilespmem:s10+$0x290];
	_ =	sdelay $0x4  }
0xb5: {  	v59 =	vshll.u32 v6, $0x3  }
0xb6: {  	v14 =	vand.u32 $0x7F, v6;
	v13 =	vand.u32 $0xFC00, v59  }
0xb7: {  	v13 =	vor.u32 v13, v14  }
0xb8: {  	v6 =	vshra.s32 v6, $0xC;
	v13 =	vor.u32 $0x280, v13  }
0xb9: {  	v6 =	vand.u32 $0xFFFFFFFE, v6  }
0xba: {  	v6 =	vsub.s32 $0x1, v6  }
0xbb: {  	v6 =	vcvt.s32.f32 v6;
	_ =	sdelay $0x1  }
0xbc: {  	[tilespmem:v13+s7+$0x0] =	vst.idx.add.f32.msk $0xffff, v6  }
0xbd: {  	v6 =	vld [tilespmem:s10+$0x300];
	_ =	sdelay $0x4  }
0xbe: {  	v60 =	vshll.u32 v6, $0x3  }
0xbf: {  	v15 =	vand.u32 $0x7F, v6;
	v14 =	vand.u32 $0xFC00, v60  }
0xc0: {  	v14 =	vor.u32 v14, v15  }
0xc1: {  	v6 =	vshra.s32 v6, $0xC;
	v14 =	vor.u32 $0x300, v14  }
0xc2: {  	v6 =	vand.u32 $0xFFFFFFFE, v6  }
0xc3: {  	v6 =	vsub.s32 $0x1, v6  }
0xc4: {  	v6 =	vcvt.s32.f32 v6;
	_ =	sdelay $0x1  }
0xc5: {  	[tilespmem:v14+s7+$0x0] =	vst.idx.add.f32.msk $0xffff, v6  }
0xc6: {  	v6 =	vld [tilespmem:s10+$0x310];
	_ =	sdelay $0x4  }
0xc7: {  	v61 =	vshll.u32 v6, $0x3  }
0xc8: {  	v16 =	vand.u32 $0x7F, v6;
	v15 =	vand.u32 $0xFC00, v61  }
0xc9: {  	v15 =	vor.u32 v15, v16  }
0xca: {  	v6 =	vshra.s32 v6, $0xC;
	v15 =	vor.u32 $0x300, v15  }
0xcb: {  	v6 =	vand.u32 $0xFFFFFFFE, v6  }
0xcc: {  	v6 =	vsub.s32 $0x1, v6  }
0xcd: {  	v6 =	vcvt.s32.f32 v6;
	_ =	sdelay $0x1  }
0xce: {  	[tilespmem:v15+s7+$0x0] =	vst.idx.add.f32.msk $0xffff, v6  }
0xcf: {  	v6 =	vld [tilespmem:s10+$0x380];
	_ =	sdelay $0x4  }
0xd0: {  	v62 =	vshll.u32 v6, $0x3  }
0xd1: {  	v17 =	vand.u32 $0x7F, v6;
	v16 =	vand.u32 $0xFC00, v62  }
0xd2: {  	v16 =	vor.u32 v16, v17  }
0xd3: {  	v6 =	vshra.s32 v6, $0xC;
	v16 =	vor.u32 $0x380, v16  }
0xd4: {  	v6 =	vand.u32 $0xFFFFFFFE, v6  }
0xd5: {  	v6 =	vsub.s32 $0x1, v6  }
0xd6: {  	v6 =	vcvt.s32.f32 v6;
	_ =	sdelay $0x1  }
0xd7: {  	[tilespmem:v16+s7+$0x0] =	vst.idx.add.f32.msk $0xffff, v6  }
0xd8: {  	v6 =	vld [tilespmem:s10+$0x390];
	_ =	sdelay $0x4  }
0xd9: {  	v63 =	vshll.u32 v6, $0x3  }
0xda: {  	v18 =	vand.u32 $0x7F, v6;
	v17 =	vand.u32 $0xFC00, v63  }
0xdb: {  	v17 =	vor.u32 v17, v18  }
0xdc: {  	v6 =	vshra.s32 v6, $0xC;
	v17 =	vor.u32 $0x380, v17  }
0xdd: {  	v6 =	vand.u32 $0xFFFFFFFE, v6  }
0xde: {  	v6 =	vsub.s32 $0x1, v6  }
0xdf: {  	v6 =	vcvt.s32.f32 v6;
	_ =	sdelay $0x1  }
0xe0: {  	s31 =	sadd.s32 s9, s5;
	[tilespmem:v17+s7+$0x0] =	vst.idx.add.f32.msk $0xffff, v6  }
0xe1: {  	[hbm4b:s31+s2] =	stream.linear.scatter [tilespmem:s7], [sflag:$0x1], $0x8000, $0x38;
	[tilespmem:$0xC000] =	vst v63  }
0xe2: {  	_ =	swait.ge [sflag:s6], $0x8000  }
0xe3: {  	[sflag:s6] =	ssyncset.done $0x0  }
0xe4: {  	[sflag:s6] =	ssyncadd.s32 $0xFFFF8000  }
0xe5: {  	[tilespmem:v1+s7+$0x0] =	vst.idx.msk $0xffff, v0  }
0xe6: {  	[tilespmem:v2+s7+$0x0] =	vst.idx.msk $0xffff, v0  }
0xe7: {  	[tilespmem:v3+s7+$0x0] =	vst.idx.msk $0xffff, v0  }
0xe8: {  	[tilespmem:v47+s7+$0x0] =	vst.idx.msk $0xffff, v0  }
0xe9: {  	[tilespmem:v51+s7+$0x0] =	vst.idx.msk $0xffff, v0  }
0xea: {  	[tilespmem:v7+s7+$0x0] =	vst.idx.msk $0xffff, v0  }
0xeb: {  	[tilespmem:v8+s7+$0x0] =	vst.idx.msk $0xffff, v0  }
0xec: {  	[tilespmem:v9+s7+$0x0] =	vst.idx.msk $0xffff, v0  }
0xed: {  	[tilespmem:v10+s7+$0x0] =	vst.idx.msk $0xffff, v0  }
0xee: {  	[tilespmem:v11+s7+$0x0] =	vst.idx.msk $0xffff, v0  }
0xef: {  	p0 =	sne.s32 s9, $0xF000;
	[tilespmem:v12+s7+$0x0] =	vst.idx.msk $0xffff, v0  }
.Ltmp8:
0xf0: {  	[tilespmem:v13+s7+$0x0] =	vst.idx.msk $0xffff, v0;
	(pc) =	sbr.rel @p0 .LBB2_18-.Ltmp8, $4  }
0xf1: {  	[tilespmem:v14+s7+$0x0] =	vst.idx.msk $0xffff, v0  }
0xf2: {  	[tilespmem:v15+s7+$0x0] =	vst.idx.msk $0xffff, v0  }
0xf3: {  	[tilespmem:v16+s7+$0x0] =	vst.idx.msk $0xffff, v0  }
0xf4: {  	s9 =	sadd.s32 $0x1000, s9;
	[tilespmem:v17+s7+$0x0] =	vst.idx.msk $0xffff, v0  }
0xf5: {  	s8 =	sadd.s32 $0x1, s8  }
0xf6: {  	p0 =	sne.s32 s8, s4  }
.Ltmp9:
0xf7: {  	_ = 	snop;
	(pc) =	sbr.rel @p0 .LBB2_1-.Ltmp9, $1  }
0xf8: {  	_ =	sdelay $0x3  }
0xf9: {  	_ =	sfence.sel $0x180000  }
0xfa: {  	[bflag:$0x0] =	sbarrier.arrive $0xFFFF  }
0xfb: {  	p0 =	sne.s32 s1, $0x0;
	_ =	strace $0x9000004A  }
0xfc: {  	s0 =	sadd.s32 @!p0 $0x100000, s0;
	[bflag:$0x2] =	sbarrier.arrive $0xFFFF  }
0xfd: {  	[sflag:s0] =	ssyncadd.tile.s32 @!p0 $0x1;
	_ =	shalt  }
.Lfunc_end2:
_tile_overlayer_lowered:
.L_overlay_start_2:
0xfe: {  	(tag) =	ssettag $0x2  }
0xff: {  	s0 =	rddreg [dreg:$0x0];
	s2 =	stileid.u32  }
0x100: {  	s1 =	rddreg [dreg:$0x1];
	p0 =	sne.s32 s2, $0x0  }
0x101: {  	s3 =	rddreg [dreg:$0x2];
	[bflag:$0x3] =	sbarrier.arrive $0xFFFF;
	s2 =	simm.s32 @!p0 $0x1C01  }
0x102: {  	[timem:s3], [sflag:s2] =	dma.local @!p0 [hbm:s0], s1  }
0x103: {  	s0 =	simm.s32 @!p0 $0x1  }
0x104: {  	_ =	swait.ge @!p0 [sflag:s0], s1  }
0x105: {  	s1 =	ssub.s32 @!p0 $0x0, s1;
	[sflag:s0] =	ssyncset.done @!p0 $0x0  }
0x106: {  	[sflag:s0] =	ssyncadd.s32 @!p0 s1  }
0x107: {  	[bflag:$0x3] =	sbarrier.arrive $0xFFFF  }
0x108: {  	_ =	shalt  }

// kernel: kernel.7.cloned.1.call-start
scs
__scs_entry_jumppad:
0x0: {  	(pc) =	sbr.rel $0x88, $3  }
0x1: {  	(tag) =	ssettag $0x0;
	lr =	simm.s32 $0x1  }
0x2: {  	[smem:$0x3F9B] =	sst lr;
	_ =	strace $0xD0000000  }
0x3: {  	_ = 	snop  }
0x4: {  	_ = 	snop  }
0x5: {  	_ = 	snop  }
0x6: {  	_ = 	snop  }
0x7: {  	_ = 	snop  }
__scs_overlays_trampoline_lowered:
0x8: {  	[smem:$0x3FAA] =	sst s0  }
0x9: {  	[smem:$0x3FAB] =	sst s1  }
0xa: {  	[smem:$0x3FAC] =	sst s2  }
0xb: {  	[smem:$0x3FAD] =	sst s3  }
0xc: {  	[smem:$0x3FAE] =	sst s4  }
0xd: {  	[smem:$0x3FAF] =	sst s5  }
0xe: {  	[smem:$0x3FB0] =	sst s6  }
0xf: {  	[smem:$0x3FB1] =	sst s7  }
0x10: {  	[smem:$0x3FB2] =	sst s8  }
0x11: {  	[smem:$0x3FB3] =	sst s9;
	s0 =	simm.s32 @!p0 $0x0  }
0x12: {  	s1 =	sld [smem:$0x3F99];
	s0 =	simm.s32 @p0 $0x1  }
0x13: {  	[smem:$0x3FB4] =	sst s0;
	s0 =	simm.s32 @!p1 $0x0  }
0x14: {  	s2 =	sld [smem:$0x3F98];
	s0 =	simm.s32 @p1 $0x1  }
0x15: {  	[smem:$0x3FB5] =	sst s0;
	s0 =	simm.s32 @!p2 $0x0  }
0x16: {  	s3 =	sld [smem:$0x3FDB];
	s0 =	simm.s32 @p2 $0x1  }
0x17: {  	s4 =	simm.s32 $0x1BF5;
	[smem:$0x3FB7] =	sst s0  }
0x18: {  	s0 =	sld [smem:$0x3F9A];
	_ =	swait.ge [sflag:s4], $0x0  }
0x19: {  	s7 =	sld [smem:$0x3F9B]  }
0x1a: {  	s8 =	sadd.s32 $0xFFFFE003, lr  }
0x1b: {  	s9 =	sadd.s32 $0xFFFFFEF7, lr;
	s5 =	simm.s32 $0xFFFFFFFF;
	p2 =	slt.u32 s8, $0xFFFFF086  }
0x1c: {  	p1 =	slt.u32 s9, $0xF7A;
	s5 =	simm.s32 @!p2 $0x0  }
0x1d: {  	s5 =	simm.s32 @p1 $0x1;
	p0 =	seq.s32 s7, s2  }
0x1e: {  	s7 =	smul.u32 @!p0 $0xF7A, s2;
	p2 =	seq.s32 @!p0 s5, $0x0  }
0x1f: {  	s9 =	smul.u32 $0xF7A, s1;
	s8 =	simm.s32 @!p0 $0x1BF5;
	p2 =	por !p2, p0  }
0x20: {  	[sflag:s8] =	ssyncset.s32 @!p0 $0xFFFFF086;
	s6 =	sadd.s32 @!p0 s3, s7;
	s7 =	simm.s32 @!p0 $0x108  }
0x21: {  	s3 =	sadd.s32 s3, s9;
	s6 =	sadd.s32 @!p0 $0x88, s6;
	s7 =	simm.s32 @p2 $0x1082  }
0x22: {  	[simem:s7], [sflag:s8] =	dma.local @!p0 [hbm:s6], $0xF7A  }
0x23: {  	s9 =	sor.u32 $0xD0000000, s2;
	s6 =	simm.s32 $0x108;
	_ =	swait.ge @!p0 [sflag:s8], $0x0  }
0x24: {  	s3 =	sadd.s32 $0x88, s3;
	s6 =	simm.s32 @!p1 $0x1082;
	[sflag:s4] =	ssyncset.s32 $0xFFFFF086  }
0x25: {  	[simem:s6], [sflag:s4] =	dma.local [hbm:s3], $0xF7A  }
0x26: {  	[smem:$0x3F9B] =	sst s1;
	(tag) =	ssettag s2;
	_ =	strace s9  }
0x27: {  	s1 =	sld [smem:$0x3FAB]  }
0x28: {  	s2 =	sld [smem:$0x3FAC]  }
0x29: {  	s4 =	sld [smem:$0x3FAE]  }
0x2a: {  	p0 =	seq.s32 s5, $0x0;
	s5 =	sld [smem:$0x3FAF]  }
0x2b: {  	s6 =	sld [smem:$0x3FB0]  }
0x2c: {  	s7 =	sld [smem:$0x3FB1]  }
0x2d: {  	s3 =	simm.s32 $0x108;
	s8 =	sld [smem:$0x3FB2]  }
0x2e: {  	s3 =	simm.s32 @!p0 $0x1082;
	s9 =	sld [smem:$0x3FB3]  }
0x2f: {  	lr =	sadd.s32 s0, s3;
	s0 =	sld [smem:$0x3FAA]  }
0x30: {  	s3 =	sld [smem:$0x3FAD]  }
0x31: {  	[smem:$0x3FB6] =	sst s10  }
0x32: {  	s10 =	sld [smem:$0x3FB4];
	_ =	sdelay $0x3  }
0x33: {  	p0 =	seq.s32 s10, $0x1;
	s10 =	sld [smem:$0x3FB6];
	_ =	sdelay $0x3  }
0x34: {  	[smem:$0x3FB6] =	sst s10  }
0x35: {  	s10 =	sld [smem:$0x3FB5];
	_ =	sdelay $0x3  }
0x36: {  	p1 =	seq.s32 s10, $0x1;
	s10 =	sld [smem:$0x3FB6];
	_ =	sdelay $0x3  }
0x37: {  	[smem:$0x3FB6] =	sst s10  }
0x38: {  	s10 =	sld [smem:$0x3FB7]  }
0x39: {  	_ = 	snop;
	(pc) =	sbr.ind lr, $3  }
0x3a: {  	_ = 	snop  }
0x3b: {  	_ = 	snop  }
0x3c: {  	p2 =	seq.s32 s10, $0x1;
	s10 =	sld [smem:$0x3FB6]  }
0x3d: {  	_ =	shalt  }
0x3e: {  	_ =	shalt  }
0x3f: {  	_ =	shalt  }
0x40: {  	_ =	shalt  }
0x41: {  	_ =	shalt  }
0x42: {  	_ =	shalt  }
0x43: {  	_ =	shalt  }
0x44: {  	_ =	shalt  }
0x45: {  	_ =	shalt  }
0x46: {  	_ =	shalt  }
0x47: {  	_ =	shalt  }
0x48: {  	_ =	shalt  }
0x49: {  	_ =	shalt  }
0x4a: {  	_ =	shalt  }
0x4b: {  	_ =	shalt  }
0x4c: {  	_ =	shalt  }
0x4d: {  	_ =	shalt  }
0x4e: {  	_ =	shalt  }
0x4f: {  	_ =	shalt  }
0x50: {  	_ =	shalt  }
0x51: {  	_ =	shalt  }
0x52: {  	_ =	shalt  }
0x53: {  	_ =	shalt  }
0x54: {  	_ =	shalt  }
0x55: {  	_ =	shalt  }
0x56: {  	_ =	shalt  }
0x57: {  	_ =	shalt  }
0x58: {  	_ =	shalt  }
0x59: {  	_ =	shalt  }
0x5a: {  	_ =	shalt  }
0x5b: {  	_ =	shalt  }
0x5c: {  	_ =	shalt  }
0x5d: {  	_ =	shalt  }
0x5e: {  	_ =	shalt  }
0x5f: {  	_ =	shalt  }
0x60: {  	_ =	shalt  }
0x61: {  	_ =	shalt  }
0x62: {  	_ =	shalt  }
0x63: {  	_ =	shalt  }
0x64: {  	_ =	shalt  }
0x65: {  	_ =	shalt  }
0x66: {  	_ =	shalt  }
0x67: {  	_ =	shalt  }
0x68: {  	_ =	shalt  }
0x69: {  	_ =	shalt  }
0x6a: {  	_ =	shalt  }
0x6b: {  	_ =	shalt  }
0x6c: {  	_ =	shalt  }
0x6d: {  	_ =	shalt  }
0x6e: {  	_ =	shalt  }
0x6f: {  	_ =	shalt  }
0x70: {  	_ =	shalt  }
0x71: {  	_ =	shalt  }
0x72: {  	_ =	shalt  }
0x73: {  	_ =	shalt  }
0x74: {  	_ =	shalt  }
0x75: {  	_ =	shalt  }
0x76: {  	_ =	shalt  }
0x77: {  	_ =	shalt  }
0x78: {  	_ =	shalt  }
0x79: {  	_ =	shalt  }
0x7a: {  	_ =	shalt  }
0x7b: {  	_ =	shalt  }
0x7c: {  	_ =	shalt  }
0x7d: {  	_ =	shalt  }
0x7e: {  	_ =	shalt  }
0x7f: {  	_ =	shalt  }
0x80: {  	_ =	shalt  }
0x81: {  	_ =	shalt  }
0x82: {  	_ =	shalt  }
0x83: {  	_ =	shalt  }
0x84: {  	_ =	shalt  }
0x85: {  	_ =	shalt  }
0x86: {  	_ =	shalt  }
0x87: {  	_ =	shalt  }
.Lfunc_end0:
.L_simem_size_0:
called_computation_lowered:
.L_overlay_start_0:
0x88: {  	s2 =	sld [smem:$0x3FD9]  }
0x89: {  	s3 =	sld [smem:$0x3FFE];
	_ =	sdelay $0x1  }
0x8a: {  	s1 =	srdreg.scid  }
0x8b: {  	s0 =	sand.u32 $0x1, s1  }
0x8c: {  	s16 =	sshll.u32 s0, $0xA;
	s2 =	sadd.s32 s3, s2  }
0x8d: {  	s2 =	sadd.s32 s2, s16  }
0x8e: {  	[smem:$0x3FC2] =	sst s2  }
0x8f: {  	_ = 	snop  }
0x90: {  	(tm) =	ssettm $0x1  }
0x91: {  	s17 =	sld [smem:$0x3FFB];
	_ =	sdelay $0x3  }
0x92: {  	_ =	strace s17  }
0x93: {  	s2 =	sld [smem:$0x3FFC];
	_ =	sdelay $0x3  }
0x94: {  	_ =	strace s2  }
0x95: {  	s2 =	sld [smem:$0x3FFD];
	_ =	sdelay $0x3  }
0x96: {  	_ =	strace s2  }
0x97: {  	_ =	strace $0x8FFFFFFF  }
0x98: {  	s18 =	sld [smem:$0x3FDB];
	_ =	sdelay $0x1  }
0x99: {  	s19 =	simm.s32 $_scs_section_size  }
0x9a: {  	s4 =	simm.s32 $_size__tile_overlayer_lowered;
	s5 =	simm.s32 $_tile_overlayer_lowered  }
0x9b: {  	s22 =	simm.s32 $0x1BFF;
	s21 =	sshll.u32 s5, $0x1;
	s2 =	sadd.s32 s19, s18  }
0x9c: {  	s6 =	simm.s32 $0x0;
	s20 =	sshll.u32 s4, $0x1;
	s4 =	sadd.s32 s21, s2  }
0x9d: {  	[timem:s6], [sflag:s22] =	dma.local [hbm:s4], s20  }
0x9e: {  	_ =	swait.ge [sflag:s22], s20  }
0x9f: {  	s3 =	ssub.s32 $0x0, s20;
	[sflag:s22] =	ssyncset.done $0x0  }
0xa0: {  	[sflag:s22] =	ssyncadd.s32 s3;
	_ =	sdelay $0x1  }
0xa1: {  	s23 =	simm.s32 $0x1B8B  }
0xa2: {  	_ =	swait.ge [sflag:s23], $0x1  }
0xa3: {  	[sflag:s23] =	ssyncset.done $0x0  }
0xa4: {  	s25 =	simm.s32 $0x1B8E;
	s24 =	sld [smem:$0x3FFE];
	[sflag:s23] =	ssyncadd.s32 $0xFFFFFFFF  }
0xa5: {  	s26 =	simm.s32 $execute0_lowered;
	[smem:$0x3FD2] =	sst s25  }
0xa6: {  	s4 =	sshll.u32 s26, $0x1;
	_ =	strace $0x80000046;
	[dreg:$0x1] =	wrdreg $0xFFFFFFFF  }
0xa7: {  	s28 =	simm.s32 $_size_execute0_lowered;
	s2 =	sadd.s32 s2, s4;
	[dreg:$0x0] =	wrdreg $0x0  }
0xa8: {  	s4 =	sshll.u32 s28, $0x1;
	[dreg:$0x2] =	wrdreg s2  }
0xa9: {  	[dreg:$0x3] =	wrdreg s4  }
0xaa: {  	[dreg:$0x4] =	wrdreg $0xC0  }
0xab: {  	_ =	task [dreg:s6], $0x5FFFF  }
0xac: {  	[dreg:$0x1] =	wrdreg $0xFFFFFFFF  }
0xad: {  	[dreg:$0x0] =	wrdreg $0x60  }
0xae: {  	[dreg:$0x2] =	wrdreg s24  }
0xaf: {  	[dreg:$0x3] =	wrdreg $0x9  }
0xb0: {  	_ =	task.clear_ibuf [dreg:s6], $0x4FFFF;
	_ =	strace $0x90000046  }
0xb1: {  	s29 =	simm.s32 $0x9;
	_ =	strace $0x80000048  }
0xb2: {  	_ =	swait.ge [sflag:s29], $0x1  }
0xb3: {  	[sflag:s29] =	ssyncadd.s32 $0xFFFFFFFF  }
0xb4: {  	_ =	strace $0x90000048  }
0xb5: {  	_ =	sfence  }
0xb6: {  	s30 =	sld [smem:$0x0];
	_ =	sdelay $0x2  }
0xb7: {  	s31 =	sshll.u32 s1, $0xD;
	s1 =	sshrl.u32 s1, $0x2  }
0xb8: {  	s3 =	sand.u32 $0x4000, s31;
	s1 =	sadd.s32 s1, s30  }
0xb9: {  	s0 =	sor.u32 s3, s0;
	s1 =	sshll.u32 s1, $0x11  }
0xba: {  	s0 =	sor.u32 s1, s0  }
0xbb: {  	s0 =	sadd.s32 $0x8F2B, s0  }
0xbc: {  	[sflag:s0] =	ssyncadd.remote.s32 $0x1  }
0xbd: {  	_ =	sfence.sel $0xFFFF  }
0xbe: {  	[dreg:$0x0] =	wrdreg $0xFFFFFFFF;
	(pc) =	sbr.abs _section_cstart, $3  }
0xbf: {  	[dreg:$0x1] =	wrdreg $0xFFFFFFFF  }
0xc0: {  	_ =	task.clear_ibuf [dreg:s6], $0x2FFFF;
	_ =	strace $0x9FFFFFFF  }
0xc1: {  	(tm) =	ssettm $0x7FFFFFFF  }
tec
execute0_lowered:
.L_overlay_start_1:
0x0: {  	(tag) =	ssettag $0x1  }
0x1: {  	s3 =	rddreg [dreg:$0x0]  }
0x2: {  	s0 =	rddreg [dreg:$0x1];
	s2 =	simm.s32 $0x0;
	s4 =	srdreg.scid  }
0x3: {  	s1 =	stileid.u32;
	[smem:$0x7FF] =	sst s2;
	s4 =	sand.u32 $0x1, s4  }
0x4: {  	s5 =	sshll.u32 s1, $0xC;
	s30 =	sshll.u32 s1, $0x10;
	_ =	strace $0x80000047  }
0x5: {  	s6 =	sshll.u32 s4, $0xB;
	s7 =	ssub.s32 $0x2, s4;
	s4 =	sshll.u32 s4, $0xF  }
0x6: {  	s5 =	sor.u32 s6, s5;
	s6 =	sadd.s32 s30, s3;
	s8 =	sshrl.u32 s7, $0x1  }
0x7: {  	s3 =	sadd.s32 s5, s3;
	s31 =	ssub.s32 s7, s8;
	s6 =	sadd.s32 s4, s6  }
0x8: {  	s7 =	simm.s32 $0x4000;
	s8 =	simm.s32 $0x0;
	s3 =	sadd.s32 $0x1000, s3  }
0x9: {  	v0 =	vimm.f32 $0.0e+00;
	s4 =	smax.u32 s31, $0x1;
	s5 =	sadd.s32 $0x11000, s6;
	s6 =	simm.s32 $0x1  }
.LBB2_1:
0xa: {  	s9 =	sand.u32 $0x70, s2;
	s10 =	sand.u32 $0x3C00, s2  }
0xb: {  	s9 =	sor.u32 s9, s10  }
0xc: {  	s11 =	simm.s32 $0x0;
	s10 =	simm.s32 $0x10;
	[tilespmem:s9+$0x4000] =	vst v0  }
.LBB2_2:
0xd: {  	p0 =	sne.s32 s10, $0x7F0  }
.Ltmp0:
0xe: {  	_ = 	snop;
	(pc) =	sbr.rel @p0 .LBB2_2-.Ltmp0, $4  }
0xf: {  	s11 =	sadd.s32 $0x80, s11  }
0x10: {  	s9 =	sand.u32 $0x70, s10;
	s12 =	sand.u32 $0x3C00, s11  }
0x11: {  	s9 =	sor.u32 s9, s12  }
0x12: {  	s10 =	sadd.s32 $0x10, s10;
	[tilespmem:s9+$0x4000] =	vst v0;
	s9 =	simm.s32 $0x0  }
0x13: {  	s10 =	sand.u32 $0x70, s9;
	s11 =	sand.u32 $0x3C00, s9  }
0x14: {  	s10 =	sor.u32 s10, s11  }
0x15: {  	s12 =	simm.s32 $0x0;
	s11 =	simm.s32 $0x10;
	[tilespmem:s10+$0x4080] =	vst v0  }
.LBB2_4:
0x16: {  	p0 =	sne.s32 s11, $0x7F0  }
.Ltmp1:
0x17: {  	_ = 	snop;
	(pc) =	sbr.rel @p0 .LBB2_4-.Ltmp1, $4  }
0x18: {  	s12 =	sadd.s32 $0x80, s12  }
0x19: {  	s13 =	sand.u32 $0x70, s11;
	s14 =	sand.u32 $0x3C00, s12  }
0x1a: {  	s13 =	sor.u32 s13, s14  }
0x1b: {  	s11 =	sadd.s32 $0x10, s11;
	[tilespmem:s13+$0x4080] =	vst v0  }
0x1c: {  	s11 =	simm.s32 $0x10;
	[tilespmem:s10+$0x4100] =	vst v0  }
.LBB2_6:
0x1d: {  	p0 =	sne.s32 s11, $0x7F0  }
.Ltmp2:
0x1e: {  	_ = 	snop;
	(pc) =	sbr.rel @p0 .LBB2_6-.Ltmp2, $4  }
0x1f: {  	s9 =	sadd.s32 $0x80, s9  }
0x20: {  	s10 =	sand.u32 $0x70, s11;
	s12 =	sand.u32 $0x3C00, s9  }
0x21: {  	s10 =	sor.u32 s10, s12  }
0x22: {  	s11 =	sadd.s32 $0x10, s11;
	[tilespmem:s10+$0x4100] =	vst v0;
	s10 =	simm.s32 $0x0  }
0x23: {  	s9 =	sand.u32 $0x70, s10;
	s11 =	sand.u32 $0x3C00, s10  }
0x24: {  	s9 =	sor.u32 s9, s11  }
0x25: {  	s12 =	simm.s32 $0x0;
	s11 =	simm.s32 $0x10;
	[tilespmem:s9+$0x4180] =	vst v0  }
.LBB2_8:
0x26: {  	p0 =	sne.s32 s11, $0x7F0  }
.Ltmp3:
0x27: {  	_ = 	snop;
	(pc) =	sbr.rel @p0 .LBB2_8-.Ltmp3, $4  }
0x28: {  	s12 =	sadd.s32 $0x80, s12  }
0x29: {  	s13 =	sand.u32 $0x70, s11;
	s14 =	sand.u32 $0x3C00, s12  }
0x2a: {  	s13 =	sor.u32 s13, s14  }
0x2b: {  	s11 =	sadd.s32 $0x10, s11;
	[tilespmem:s13+$0x4180] =	vst v0  }
0x2c: {  	s11 =	simm.s32 $0x10;
	[tilespmem:s9+$0x4200] =	vst v0  }
.LBB2_10:
0x2d: {  	p0 =	sne.s32 s11, $0x7F0  }
.Ltmp4:
0x2e: {  	_ = 	snop;
	(pc) =	sbr.rel @p0 .LBB2_10-.Ltmp4, $4  }
0x2f: {  	s10 =	sadd.s32 $0x80, s10  }
0x30: {  	s9 =	sand.u32 $0x70, s11;
	s12 =	sand.u32 $0x3C00, s10  }
0x31: {  	s9 =	sor.u32 s9, s12  }
0x32: {  	s11 =	sadd.s32 $0x10, s11;
	[tilespmem:s9+$0x4200] =	vst v0;
	s9 =	simm.s32 $0x0  }
0x33: {  	s10 =	sand.u32 $0x70, s9;
	s11 =	sand.u32 $0x3C00, s9  }
0x34: {  	s11 =	sor.u32 s10, s11  }
0x35: {  	s10 =	simm.s32 $0x10;
	[tilespmem:s11+$0x4280] =	vst v0;
	s11 =	simm.s32 $0x0  }
.LBB2_12:
0x36: {  	p0 =	sne.s32 s10, $0x7F0  }
.Ltmp5:
0x37: {  	_ = 	snop;
	(pc) =	sbr.rel @p0 .LBB2_12-.Ltmp5, $4  }
0x38: {  	s11 =	sadd.s32 $0x80, s11  }
0x39: {  	s12 =	sand.u32 $0x70, s10;
	s13 =	sand.u32 $0x3C00, s11  }
0x3a: {  	s12 =	sor.u32 s12, s13  }
0x3b: {  	s10 =	sadd.s32 $0x10, s10;
	[tilespmem:s12+$0x4280] =	vst v0  }
0x3c: {  	s10 =	simm.s32 $0x0  }
.LBB2_14:
0x3d: {  	p0 =	sne.s32 s10, $0x7F0  }
.Ltmp6:
0x3e: {  	_ = 	snop;
	(pc) =	sbr.rel @p0 .LBB2_14-.Ltmp6, $4  }
0x3f: {  	_ = 	snop  }
0x40: {  	s11 =	sand.u32 $0x70, s10;
	s12 =	sand.u32 $0x3C00, s9  }
0x41: {  	s11 =	sor.u32 s11, s12  }
0x42: {  	s9 =	sadd.s32 $0x80, s9;
	s10 =	sadd.s32 $0x10, s10;
	[tilespmem:s11+$0x4300] =	vst v0  }
0x43: {  	s9 =	simm.s32 $0x0  }
0x44: {  	s10 =	sand.u32 $0x70, s9;
	s11 =	sand.u32 $0x3C00, s9  }
0x45: {  	s11 =	sor.u32 s10, s11  }
0x46: {  	s10 =	simm.s32 $0x10;
	[tilespmem:s11+$0x4380] =	vst v0  }
.LBB2_16:
0x47: {  	p0 =	sne.s32 s10, $0x7F0  }
.Ltmp7:
0x48: {  	_ = 	snop;
	(pc) =	sbr.rel @p0 .LBB2_16-.Ltmp7, $4  }
0x49: {  	s9 =	sadd.s32 $0x80, s9  }
0x4a: {  	s11 =	sand.u32 $0x70, s10;
	s12 =	sand.u32 $0x3C00, s9  }
0x4b: {  	s11 =	sor.u32 s11, s12  }
0x4c: {  	s10 =	sadd.s32 $0x10, s10;
	[tilespmem:s11+$0x4380] =	vst v0  }
0x4d: {  	s9 =	simm.s32 $0x0  }
0x4e: {  	[tilespmem:s9], [sflag:$0x1] =	stream.linear.gather [hbm4b:s3+s9], $0x4000, $0x38;
	[tilespmem:$0x8000] =	vst v63  }
0x4f: {  	_ =	swait.ge [sflag:s6], $0x4000  }
0x50: {  	[sflag:s6] =	ssyncset.done $0x0  }
0x51: {  	s10 =	simm.s32 $0x200;
	[sflag:s6] =	ssyncadd.s32 $0xFFFFC000  }
.LBB2_18:
0x52: {  	v1 =	vld [tilespmem:s10+$0xFFFFFE00];
	_ =	sdelay $0x4  }
0x53: {  	v2 =	vshll.u32 v1, $0x7;
	v3 =	vshrl.u32 v1, $0x4  }
0x54: {  	v2 =	vand.u32 $0x780, v2;
	v4 =	vand.u32 $0x180, v3  }
0x55: {  	v2 =	vor.u32 v4, v2  }
0x56: {  	v3 =	vand.u32 $0x7F, v3;
	v2 =	vshll.u32 v2, $0x3  }
0x57: {  	v16 =	vshra.s32 v1, $0xC;
	v1 =	vor.u32 v3, v2  }
0x58: {  	v2 =	vand.u32 $0xFFFFFFFE, v16  }
0x59: {  	v2 =	vsub.s32 $0x1, v2  }
0x5a: {  	v2 =	vcvt.s32.f32 v2;
	_ =	sdelay $0x1  }
0x5b: {  	[tilespmem:v1+s7+$0x0] =	vst.idx.add.f32.msk $0xffff, v2  }
0x5c: {  	v2 =	vld [tilespmem:s10+$0xFFFFFE10];
	_ =	sdelay $0x4  }
0x5d: {  	v3 =	vshll.u32 v2, $0x7;
	v17 =	vshrl.u32 v2, $0x4  }
0x5e: {  	v3 =	vand.u32 $0x780, v3;
	v5 =	vand.u32 $0x180, v17  }
0x5f: {  	v3 =	vor.u32 v5, v3  }
0x60: {  	v4 =	vand.u32 $0x7F, v17;
	v3 =	vshll.u32 v3, $0x3  }
0x61: {  	v18 =	vshra.s32 v2, $0xC;
	v2 =	vor.u32 v4, v3  }
0x62: {  	v3 =	vand.u32 $0xFFFFFFFE, v18  }
0x63: {  	v3 =	vsub.s32 $0x1, v3  }
0x64: {  	v3 =	vcvt.s32.f32 v3;
	_ =	sdelay $0x1  }
0x65: {  	[tilespmem:v2+s7+$0x0] =	vst.idx.add.f32.msk $0xffff, v3  }
0x66: {  	v3 =	vld [tilespmem:s10+$0xFFFFFE80];
	_ =	sdelay $0x4  }
0x67: {  	v19 =	vshll.u32 v3, $0x7;
	v20 =	vshrl.u32 v3, $0x4  }
0x68: {  	v4 =	vand.u32 $0x780, v19;
	v6 =	vand.u32 $0x180, v20  }
0x69: {  	v4 =	vor.u32 v6, v4  }
0x6a: {  	v5 =	vand.u32 $0x7F, v20;
	v4 =	vshll.u32 v4, $0x3  }
0x6b: {  	v4 =	vor.u32 v5, v4  }
0x6c: {  	v21 =	vshra.s32 v3, $0xC;
	v3 =	vor.u32 $0x80, v4  }
0x6d: {  	v22 =	vand.u32 $0xFFFFFFFE, v21  }
0x6e: {  	v4 =	vsub.s32 $0x1, v22  }
0x6f: {  	v4 =	vcvt.s32.f32 v4;
	_ =	sdelay $0x1  }
0x70: {  	[tilespmem:v3+s7+$0x0] =	vst.idx.add.f32.msk $0xffff, v4  }
0x71: {  	v4 =	vld [tilespmem:s10+$0xFFFFFE90];
	_ =	sdelay $0x4  }
0x72: {  	v23 =	vshll.u32 v4, $0x7;
	v24 =	vshrl.u32 v4, $0x4  }
0x73: {  	v5 =	vand.u32 $0x780, v23;
	v7 =	vand.u32 $0x180, v24  }
0x74: {  	v5 =	vor.u32 v7, v5  }
0x75: {  	v6 =	vand.u32 $0x7F, v24;
	v5 =	vshll.u32 v5, $0x3  }
0x76: {  	v5 =	vor.u32 v6, v5  }
0x77: {  	v25 =	vshra.s32 v4, $0xC;
	v26 =	vor.u32 $0x80, v5  }
0x78: {  	v27 =	vand.u32 $0xFFFFFFFE, v25  }
0x79: {  	v5 =	vsub.s32 $0x1, v27  }
0x7a: {  	v5 =	vcvt.s32.f32 v5;
	_ =	sdelay $0x1  }
0x7b: {  	[tilespmem:v26+s7+$0x0] =	vst.idx.add.f32.msk $0xffff, v5  }
0x7c: {  	v5 =	vld [tilespmem:s10+$0xFFFFFF00];
	_ =	sdelay $0x4  }
0x7d: {  	v28 =	vshll.u32 v5, $0x7;
	v29 =	vshrl.u32 v5, $0x4  }
0x7e: {  	v6 =	vand.u32 $0x780, v28;
	v8 =	vand.u32 $0x180, v29  }
0x7f: {  	v6 =	vor.u32 v8, v6  }
0x80: {  	v7 =	vand.u32 $0x7F, v29;
	v6 =	vshll.u32 v6, $0x3  }
0x81: {  	v6 =	vor.u32 v7, v6  }
0x82: {  	v30 =	vshra.s32 v5, $0xC;
	v31 =	vor.u32 $0x100, v6  }
0x83: {  	v32 =	vand.u32 $0xFFFFFFFE, v30  }
0x84: {  	v6 =	vsub.s32 $0x1, v32  }
0x85: {  	v6 =	vcvt.s32.f32 v6;
	_ =	sdelay $0x1  }
0x86: {  	[tilespmem:v31+s7+$0x0] =	vst.idx.add.f32.msk $0xffff, v6  }
0x87: {  	v6 =	vld [tilespmem:s10+$0xFFFFFF10];
	_ =	sdelay $0x4  }
0x88: {  	v33 =	vshll.u32 v6, $0x7;
	v34 =	vshrl.u32 v6, $0x4  }
0x89: {  	v7 =	vand.u32 $0x780, v33;
	v9 =	vand.u32 $0x180, v34  }
0x8a: {  	v7 =	vor.u32 v9, v7  }
0x8b: {  	v8 =	vand.u32 $0x7F, v34;
	v7 =	vshll.u32 v7, $0x3  }
0x8c: {  	v7 =	vor.u32 v8, v7  }
0x8d: {  	v35 =	vshra.s32 v6, $0xC;
	v36 =	vor.u32 $0x100, v7  }
0x8e: {  	v37 =	vand.u32 $0xFFFFFFFE, v35  }
0x8f: {  	v7 =	vsub.s32 $0x1, v37  }
0x90: {  	v7 =	vcvt.s32.f32 v7;
	_ =	sdelay $0x1  }
0x91: {  	[tilespmem:v36+s7+$0x0] =	vst.idx.add.f32.msk $0xffff, v7  }
0x92: {  	v7 =	vld [tilespmem:s10+$0xFFFFFF80];
	_ =	sdelay $0x4  }
0x93: {  	v38 =	vshll.u32 v7, $0x7;
	v39 =	vshrl.u32 v7, $0x4  }
0x94: {  	v8 =	vand.u32 $0x780, v38;
	v10 =	vand.u32 $0x180, v39  }
0x95: {  	v8 =	vor.u32 v10, v8  }
0x96: {  	v9 =	vand.u32 $0x7F, v39;
	v8 =	vshll.u32 v8, $0x3  }
0x97: {  	v8 =	vor.u32 v9, v8  }
0x98: {  	v40 =	vshra.s32 v7, $0xC;
	v41 =	vor.u32 $0x180, v8  }
0x99: {  	v42 =	vand.u32 $0xFFFFFFFE, v40  }
0x9a: {  	v8 =	vsub.s32 $0x1, v42  }
0x9b: {  	v8 =	vcvt.s32.f32 v8;
	_ =	sdelay $0x1  }
0x9c: {  	[tilespmem:v41+s7+$0x0] =	vst.idx.add.f32.msk $0xffff, v8  }
0x9d: {  	v8 =	vld [tilespmem:s10+$0xFFFFFF90];
	_ =	sdelay $0x4  }
0x9e: {  	v43 =	vshll.u32 v8, $0x7;
	v44 =	vshrl.u32 v8, $0x4  }
0x9f: {  	v9 =	vand.u32 $0x780, v43;
	v11 =	vand.u32 $0x180, v44  }
0xa0: {  	v9 =	vor.u32 v11, v9  }
0xa1: {  	v10 =	vand.u32 $0x7F, v44;
	v9 =	vshll.u32 v9, $0x3  }
0xa2: {  	v9 =	vor.u32 v10, v9  }
0xa3: {  	v45 =	vshra.s32 v8, $0xC;
	v46 =	vor.u32 $0x180, v9  }
0xa4: {  	v47 =	vand.u32 $0xFFFFFFFE, v45  }
0xa5: {  	v9 =	vsub.s32 $0x1, v47  }
0xa6: {  	v9 =	vcvt.s32.f32 v9;
	_ =	sdelay $0x1  }
0xa7: {  	[tilespmem:v46+s7+$0x0] =	vst.idx.add.f32.msk $0xffff, v9  }
0xa8: {  	v9 =	vld [tilespmem:s10+$0x0];
	_ =	sdelay $0x4  }
0xa9: {  	v48 =	vshll.u32 v9, $0x7;
	v49 =	vshrl.u32 v9, $0x4  }
0xaa: {  	v10 =	vand.u32 $0x780, v48;
	v12 =	vand.u32 $0x180, v49  }
0xab: {  	v10 =	vor.u32 v12, v10  }
0xac: {  	v11 =	vand.u32 $0x7F, v49;
	v10 =	vshll.u32 v10, $0x3  }
0xad: {  	v10 =	vor.u32 v11, v10  }
0xae: {  	v9 =	vshra.s32 v9, $0xC;
	v10 =	vor.u32 $0x200, v10  }
0xaf: {  	v9 =	vand.u32 $0xFFFFFFFE, v9  }
0xb0: {  	v9 =	vsub.s32 $0x1, v9  }
0xb1: {  	v9 =	vcvt.s32.f32 v9;
	_ =	sdelay $0x1  }
0xb2: {  	[tilespmem:v10+s7+$0x0] =	vst.idx.add.f32.msk $0xffff, v9  }
0xb3: {  	v9 =	vld [tilespmem:s10+$0x10];
	_ =	sdelay $0x4  }
0xb4: {  	v50 =	vshll.u32 v9, $0x7;
	v51 =	vshrl.u32 v9, $0x4  }
0xb5: {  	v11 =	vand.u32 $0x780, v50;
	v13 =	vand.u32 $0x180, v51  }
0xb6: {  	v11 =	vor.u32 v13, v11  }
0xb7: {  	v12 =	vand.u32 $0x7F, v51;
	v11 =	vshll.u32 v11, $0x3  }
0xb8: {  	v11 =	vor.u32 v12, v11  }
0xb9: {  	v9 =	vshra.s32 v9, $0xC;
	v11 =	vor.u32 $0x200, v11  }
0xba: {  	v9 =	vand.u32 $0xFFFFFFFE, v9  }
0xbb: {  	v9 =	vsub.s32 $0x1, v9  }
0xbc: {  	v9 =	vcvt.s32.f32 v9;
	_ =	sdelay $0x1  }
0xbd: {  	[tilespmem:v11+s7+$0x0] =	vst.idx.add.f32.msk $0xffff, v9  }
0xbe: {  	v9 =	vld [tilespmem:s10+$0x80];
	_ =	sdelay $0x4  }
0xbf: {  	v52 =	vshll.u32 v9, $0x7;
	v53 =	vshrl.u32 v9, $0x4  }
0xc0: {  	v12 =	vand.u32 $0x780, v52;
	v14 =	vand.u32 $0x180, v53  }
0xc1: {  	v12 =	vor.u32 v14, v12  }
0xc2: {  	v13 =	vand.u32 $0x7F, v53;
	v12 =	vshll.u32 v12, $0x3  }
0xc3: {  	v12 =	vor.u32 v13, v12  }
0xc4: {  	v9 =	vshra.s32 v9, $0xC;
	v12 =	vor.u32 $0x280, v12  }
0xc5: {  	v9 =	vand.u32 $0xFFFFFFFE, v9  }
0xc6: {  	v9 =	vsub.s32 $0x1, v9  }
0xc7: {  	v9 =	vcvt.s32.f32 v9;
	_ =	sdelay $0x1  }
0xc8: {  	[tilespmem:v12+s7+$0x0] =	vst.idx.add.f32.msk $0xffff, v9  }
0xc9: {  	v9 =	vld [tilespmem:s10+$0x90];
	_ =	sdelay $0x4  }
0xca: {  	v54 =	vshll.u32 v9, $0x7;
	v55 =	vshrl.u32 v9, $0x4  }
0xcb: {  	v13 =	vand.u32 $0x780, v54;
	v15 =	vand.u32 $0x180, v55  }
0xcc: {  	v13 =	vor.u32 v15, v13  }
0xcd: {  	v14 =	vand.u32 $0x7F, v55;
	v13 =	vshll.u32 v13, $0x3  }
0xce: {  	v13 =	vor.u32 v14, v13  }
0xcf: {  	v9 =	vshra.s32 v9, $0xC;
	v13 =	vor.u32 $0x280, v13  }
0xd0: {  	v9 =	vand.u32 $0xFFFFFFFE, v9  }
0xd1: {  	v9 =	vsub.s32 $0x1, v9  }
0xd2: {  	v9 =	vcvt.s32.f32 v9;
	_ =	sdelay $0x1  }
0xd3: {  	[tilespmem:v13+s7+$0x0] =	vst.idx.add.f32.msk $0xffff, v9  }
0xd4: {  	v9 =	vld [tilespmem:s10+$0x100];
	_ =	sdelay $0x4  }
0xd5: {  	v56 =	vshll.u32 v9, $0x7;
	v57 =	vshrl.u32 v9, $0x4  }
0xd6: {  	v14 =	vand.u32 $0x780, v56;
	v16 =	vand.u32 $0x180, v57  }
0xd7: {  	v14 =	vor.u32 v16, v14  }
0xd8: {  	v15 =	vand.u32 $0x7F, v57;
	v14 =	vshll.u32 v14, $0x3  }
0xd9: {  	v14 =	vor.u32 v15, v14  }
0xda: {  	v9 =	vshra.s32 v9, $0xC;
	v14 =	vor.u32 $0x300, v14  }
0xdb: {  	v9 =	vand.u32 $0xFFFFFFFE, v9  }
0xdc: {  	v9 =	vsub.s32 $0x1, v9  }
0xdd: {  	v9 =	vcvt.s32.f32 v9;
	_ =	sdelay $0x1  }
0xde: {  	[tilespmem:v14+s7+$0x0] =	vst.idx.add.f32.msk $0xffff, v9  }
0xdf: {  	v9 =	vld [tilespmem:s10+$0x110];
	_ =	sdelay $0x4  }
0xe0: {  	v58 =	vshll.u32 v9, $0x7;
	v59 =	vshrl.u32 v9, $0x4  }
0xe1: {  	v15 =	vand.u32 $0x780, v58;
	v17 =	vand.u32 $0x180, v59  }
0xe2: {  	v15 =	vor.u32 v17, v15  }
0xe3: {  	v16 =	vand.u32 $0x7F, v59;
	v15 =	vshll.u32 v15, $0x3  }
0xe4: {  	v15 =	vor.u32 v16, v15  }
0xe5: {  	v9 =	vshra.s32 v9, $0xC;
	v15 =	vor.u32 $0x300, v15  }
0xe6: {  	v9 =	vand.u32 $0xFFFFFFFE, v9  }
0xe7: {  	v9 =	vsub.s32 $0x1, v9  }
0xe8: {  	v9 =	vcvt.s32.f32 v9;
	_ =	sdelay $0x1  }
0xe9: {  	[tilespmem:v15+s7+$0x0] =	vst.idx.add.f32.msk $0xffff, v9  }
0xea: {  	v9 =	vld [tilespmem:s10+$0x180];
	_ =	sdelay $0x4  }
0xeb: {  	v60 =	vshll.u32 v9, $0x7;
	v61 =	vshrl.u32 v9, $0x4  }
0xec: {  	v16 =	vand.u32 $0x780, v60;
	v18 =	vand.u32 $0x180, v61  }
0xed: {  	v16 =	vor.u32 v18, v16  }
0xee: {  	v17 =	vand.u32 $0x7F, v61;
	v16 =	vshll.u32 v16, $0x3  }
0xef: {  	v16 =	vor.u32 v17, v16  }
0xf0: {  	v9 =	vshra.s32 v9, $0xC;
	v16 =	vor.u32 $0x380, v16  }
0xf1: {  	v9 =	vand.u32 $0xFFFFFFFE, v9  }
0xf2: {  	v9 =	vsub.s32 $0x1, v9  }
0xf3: {  	v9 =	vcvt.s32.f32 v9;
	_ =	sdelay $0x1  }
0xf4: {  	[tilespmem:v16+s7+$0x0] =	vst.idx.add.f32.msk $0xffff, v9  }
0xf5: {  	v9 =	vld [tilespmem:s10+$0x190];
	_ =	sdelay $0x4  }
0xf6: {  	v62 =	vshll.u32 v9, $0x7;
	v63 =	vshrl.u32 v9, $0x4  }
0xf7: {  	v17 =	vand.u32 $0x780, v62;
	v19 =	vand.u32 $0x180, v63  }
0xf8: {  	v17 =	vor.u32 v19, v17  }
0xf9: {  	v18 =	vand.u32 $0x7F, v63;
	v17 =	vshll.u32 v17, $0x3  }
0xfa: {  	v17 =	vor.u32 v18, v17  }
0xfb: {  	v9 =	vshra.s32 v9, $0xC;
	v17 =	vor.u32 $0x380, v17  }
0xfc: {  	v9 =	vand.u32 $0xFFFFFFFE, v9  }
0xfd: {  	v9 =	vsub.s32 $0x1, v9  }
0xfe: {  	v9 =	vcvt.s32.f32 v9;
	_ =	sdelay $0x1  }
0xff: {  	s11 =	sadd.s32 s9, s5;
	[tilespmem:v17+s7+$0x0] =	vst.idx.add.f32.msk $0xffff, v9  }
0x100: {  	[hbm4b:s11+s2] =	stream.linear.scatter [tilespmem:s7], [sflag:$0x1], $0x4000, $0x38;
	[tilespmem:$0x8000] =	vst v63  }
0x101: {  	_ =	swait.ge [sflag:s6], $0x4000  }
0x102: {  	[sflag:s6] =	ssyncset.done $0x0  }
0x103: {  	[sflag:s6] =	ssyncadd.s32 $0xFFFFC000  }
0x104: {  	[tilespmem:v1+s7+$0x0] =	vst.idx.msk $0xffff, v0  }
0x105: {  	[tilespmem:v2+s7+$0x0] =	vst.idx.msk $0xffff, v0  }
0x106: {  	[tilespmem:v3+s7+$0x0] =	vst.idx.msk $0xffff, v0  }
0x107: {  	[tilespmem:v26+s7+$0x0] =	vst.idx.msk $0xffff, v0  }
0x108: {  	[tilespmem:v31+s7+$0x0] =	vst.idx.msk $0xffff, v0  }
0x109: {  	[tilespmem:v36+s7+$0x0] =	vst.idx.msk $0xffff, v0  }
0x10a: {  	[tilespmem:v41+s7+$0x0] =	vst.idx.msk $0xffff, v0  }
0x10b: {  	[tilespmem:v46+s7+$0x0] =	vst.idx.msk $0xffff, v0  }
0x10c: {  	[tilespmem:v10+s7+$0x0] =	vst.idx.msk $0xffff, v0  }
0x10d: {  	[tilespmem:v11+s7+$0x0] =	vst.idx.msk $0xffff, v0  }
0x10e: {  	p0 =	sne.s32 s9, $0x7800;
	[tilespmem:v12+s7+$0x0] =	vst.idx.msk $0xffff, v0  }
.Ltmp8:
0x10f: {  	[tilespmem:v13+s7+$0x0] =	vst.idx.msk $0xffff, v0;
	(pc) =	sbr.rel @p0 .LBB2_18-.Ltmp8, $4  }
0x110: {  	[tilespmem:v14+s7+$0x0] =	vst.idx.msk $0xffff, v0  }
0x111: {  	[tilespmem:v15+s7+$0x0] =	vst.idx.msk $0xffff, v0  }
0x112: {  	[tilespmem:v16+s7+$0x0] =	vst.idx.msk $0xffff, v0  }
0x113: {  	s9 =	sadd.s32 $0x800, s9;
	s10 =	sadd.s32 $0x400, s10;
	[tilespmem:v17+s7+$0x0] =	vst.idx.msk $0xffff, v0  }
0x114: {  	s8 =	sadd.s32 $0x1, s8  }
0x115: {  	p0 =	sne.s32 s8, s4  }
.Ltmp9:
0x116: {  	_ = 	snop;
	(pc) =	sbr.rel @p0 .LBB2_1-.Ltmp9, $1  }
0x117: {  	_ =	sdelay $0x3  }
0x118: {  	_ =	sfence.sel $0x180000  }
0x119: {  	[bflag:$0x0] =	sbarrier.arrive $0xFFFF  }
0x11a: {  	p0 =	sne.s32 s1, $0x0;
	_ =	strace $0x90000047  }
0x11b: {  	s0 =	sadd.s32 @!p0 $0x100000, s0;
	[bflag:$0x2] =	sbarrier.arrive $0xFFFF  }
0x11c: {  	[sflag:s0] =	ssyncadd.tile.s32 @!p0 $0x1;
	_ =	shalt  }
.Lfunc_end2:
_tile_overlayer_lowered:
.L_overlay_start_2:
0x11d: {  	(tag) =	ssettag $0x2  }
0x11e: {  	s0 =	rddreg [dreg:$0x0];
	s2 =	stileid.u32  }
0x11f: {  	s1 =	rddreg [dreg:$0x1];
	p0 =	sne.s32 s2, $0x0  }
0x120: {  	s3 =	rddreg [dreg:$0x2];
	[bflag:$0x3] =	sbarrier.arrive $0xFFFF;
	s2 =	simm.s32 @!p0 $0x1C01  }
0x121: {  	[timem:s3], [sflag:s2] =	dma.local @!p0 [hbm:s0], s1  }
0x122: {  	s0 =	simm.s32 @!p0 $0x1  }
0x123: {  	_ =	swait.ge @!p0 [sflag:s0], s1  }
0x124: {  	s1 =	ssub.s32 @!p0 $0x0, s1;
	[sflag:s0] =	ssyncset.done @!p0 $0x0  }
0x125: {  	[sflag:s0] =	ssyncadd.s32 @!p0 s1  }
0x126: {  	[bflag:$0x3] =	sbarrier.arrive $0xFFFF  }
0x127: {  	_ =	shalt  }

</sc_bundles>
